<compile_context>
chip_gen: v7x
topology: tpu7x:2x2x1
jax: 0.10.2.dev20260603
libtpu: 0.0.44.dev20260713+nightly
codegen_flags: <defaults>
</compile_context>

<pallas_src>
import functools

import jax
import jax.numpy as jnp
from jax import lax
from jax.experimental import pallas as pl
from jax.experimental.pallas import tpu as pltpu
from jax.experimental.pallas import tpu_sc as plsc

_D_MODEL = 768
_N_EXPERTS = 8
_TOP_K = 2
_BLOCK = 4096
_N_TOKENS = 32768
_N_WORKERS = 32
_STRIPE = _N_TOKENS // _N_WORKERS
_LANES = 16


def _gate_matmul_kernel(h_ref, w_ref, b_ref, logits_ref):
    logits_ref[...] = jax.lax.dot_general(
        w_ref[...], h_ref[...],
        (((1,), (1,)), ((), ())),
        preferred_element_type=jnp.float32,
    ) + b_ref[...]


def _gate_matmul(h, W, b2):
    n_tokens = h.shape[0]
    return pl.pallas_call(
        _gate_matmul_kernel,
        grid=(n_tokens // _BLOCK,),
        in_specs=[
            pl.BlockSpec((_BLOCK, _D_MODEL), lambda i: (i, 0)),
            pl.BlockSpec((_N_EXPERTS, _D_MODEL), lambda i: (0, 0)),
            pl.BlockSpec((_N_EXPERTS, 1), lambda i: (0, 0)),
        ],
        out_specs=pl.BlockSpec((_N_EXPERTS, _BLOCK), lambda i: (0, i)),
        out_shape=jax.ShapeDtypeStruct((_N_EXPERTS, n_tokens), jnp.float32),
        compiler_params=pltpu.CompilerParams(
            dimension_semantics=("arbitrary",),
        ),
    )(h, W, b2)


@functools.partial(
    pl.kernel,
    mesh=plsc.VectorSubcoreMesh(core_axis_name="c", subcore_axis_name="s"),
    out_type=[
        jax.ShapeDtypeStruct((_TOP_K, _N_TOKENS), jnp.int32),
        jax.ShapeDtypeStruct((_TOP_K, _N_TOKENS), jnp.float32),
    ],
    scratch_types=[
        pltpu.VMEM((_N_EXPERTS, _STRIPE), jnp.float32),
        pltpu.VMEM((_TOP_K, _STRIPE), jnp.int32),
        pltpu.VMEM((_TOP_K, _STRIPE), jnp.float32),
    ],
)
def _sc_route(logits_hbm, idx_hbm, w_hbm, lg_v, idx_v, w_v):
    wid = lax.axis_index("s") * 2 + lax.axis_index("c")
    base = wid * _STRIPE
    pltpu.sync_copy(logits_hbm.at[:, pl.ds(base, _STRIPE)], lg_v)

    def group(g, carry):
        o = g * _LANES
        v = [lg_v[e, pl.ds(o, _LANES)] for e in range(_N_EXPERTS)]
        vmax = v[0]
        for e in range(1, _N_EXPERTS):
            vmax = jnp.maximum(vmax, v[e])
        i1 = jnp.full((_LANES,), _N_EXPERTS - 1, jnp.int32)
        for e in range(_N_EXPERTS - 2, -1, -1):
            i1 = jnp.where(v[e] == vmax, jnp.int32(e), i1)
        neg = jnp.float32(-jnp.inf)
        vmax2 = jnp.where(i1 == 0, neg, v[0])
        for e in range(1, _N_EXPERTS):
            ve = jnp.where(i1 == jnp.int32(e), neg, v[e])
            vmax2 = jnp.maximum(vmax2, ve)
        i2 = jnp.full((_LANES,), _N_EXPERTS - 1, jnp.int32)
        for e in range(_N_EXPERTS - 2, -1, -1):
            hit = jnp.logical_and(v[e] == vmax2, i1 != jnp.int32(e))
            i2 = jnp.where(hit, jnp.int32(e), i2)
        e2 = jnp.exp(vmax2 - vmax)
        denom = 1.0 + e2
        idx_v[0, pl.ds(o, _LANES)] = i1
        idx_v[1, pl.ds(o, _LANES)] = i2
        w_v[0, pl.ds(o, _LANES)] = 1.0 / denom
        w_v[1, pl.ds(o, _LANES)] = e2 / denom
        return carry

    lax.fori_loop(0, _STRIPE // _LANES, group, 0, unroll=4)

    pltpu.sync_copy(idx_v, idx_hbm.at[:, pl.ds(base, _STRIPE)])
    pltpu.sync_copy(w_v, w_hbm.at[:, pl.ds(base, _STRIPE)])


@jax.jit
def kernel(h, W, b):
    b2 = b.reshape(_N_EXPERTS, 1)
    logits_t = _gate_matmul(h, W, b2)
    idx_t, w_t = _sc_route(logits_t)
    return (idx_t.T, w_t.T, logits_t.T)

# --- scband reference (transcript-rebuilt; emitter-appended) ---
"""Pipeline reference for scband-topic-router-68573447848334 (READ-ONLY COPY).

The authoritative reference and input builder live on the scoring server;
editing this copy changes nothing except your own understanding.
"""

import jax, jax.numpy as jnp
import numpy as np

D_MODEL = 768
N_EXPERTS = 8
TOP_K = 2
N_TOKENS = 32768


def setup_inputs(seed: int = 0) -> dict:
    key = jax.random.key(seed)
    k1, k2, k3 = jax.random.split(key, 3)
    h = jax.random.normal(k1, (N_TOKENS, D_MODEL), dtype=jnp.float32)
    # gate: UniversalLinear(d_model, n_experts, bias=True)
    W = jax.random.normal(k2, (N_EXPERTS, D_MODEL), dtype=jnp.float32) * (1.0 / np.sqrt(D_MODEL))
    b = jax.random.normal(k3, (N_EXPERTS,), dtype=jnp.float32) * 0.01
    return {"h": h, "W": W, "b": b}


def reference(h, W, b):
    # logits = self.gate(h)  (eval mode: no jitter noise)
    logits = jnp.dot(h, W.T) + b
    # weights, indices = logits.topk(top_k, dim=-1)
    vals, indices = jax.lax.top_k(logits, TOP_K)
    # weights = F.softmax(weights, dim=-1)
    weights = jax.nn.softmax(vals, axis=-1)
    return (indices, weights, logits)

if __name__ == "__main__":
    import jax
    _d = setup_inputs()
    print(jax.jit(kernel)(*tuple(_d.values())))

</pallas_src>

<mosaic_0001>
#map = affine_map<(d0, d1) -> (0, 0)>
module attributes {stable_mosaic.version = 14 : i64} {
  func.func @_sc_route(%arg0: i32, %arg1: i32, %arg2: memref<8x32768xf32, #tpu.memory_space<hbm>>, %arg3: memref<2x32768xi32, #tpu.memory_space<hbm>>, %arg4: memref<2x32768xf32, #tpu.memory_space<hbm>>, %arg5: memref<8x1024xf32, #tpu.memory_space<vmem>>, %arg6: memref<2x1024xi32, #tpu.memory_space<vmem>>, %arg7: memref<2x1024xf32, #tpu.memory_space<vmem>>) attributes {dimension_semantics = [#tpu.dimension_semantics<core_parallel>, #tpu.dimension_semantics<subcore_parallel>], iteration_bounds = array<i64: 2, 16>, scalar_prefetch = 0 : i64, scratch_operands = 3 : i64, tpu.core_type = #tpu.core_type<sc_vector_subcore>, window_params = [{transform_indices = #map}, {transform_indices = #map}, {transform_indices = #map}]} {
    %mul3A = arith.constant 2 : i32
    %mul3A_0 = arith.muli %arg1, %mul3A : i32
    %add3A = arith.addi %mul3A_0, %arg0 : i32
    %mul3A_1 = arith.constant 1024 : i32
    %mul3A_2 = arith.muli %add3A, %mul3A_1 : i32
    "tpu.region"() ({
      %run_scoped3A = tpu.sem_alloc : memref<!tpu.dma_semaphore, #tpu.memory_space<semaphore_mem>>
      %dma_start3A = arith.constant 0 : i32
      %dma_start3A_8 = tpu.memref_slice %arg2[%dma_start3A, %mul3A_2] : memref<8x32768xf32, #tpu.memory_space<hbm>> -> memref<8x1024xf32, #tpu.memory_space<hbm>>
      %dma_start3A_9 = arith.constant 0 : i32
      %dma_start3A_10 = tpu.memref_slice %arg2[%dma_start3A_9, %mul3A_2] : memref<8x32768xf32, #tpu.memory_space<hbm>> -> memref<8x1024xf32, #tpu.memory_space<hbm>>
      tpu.enqueue_dma source(%dma_start3A_10 : memref<8x1024xf32, #tpu.memory_space<hbm>>) target(%arg5 : memref<8x1024xf32, #tpu.memory_space<vmem>>) target_semaphore(%run_scoped3A : memref<!tpu.dma_semaphore, #tpu.memory_space<semaphore_mem>>)
      %dma_wait3A = arith.constant 0 : i32
      %dma_wait3A_11 = tpu.memref_slice %arg2[%dma_wait3A, %mul3A_2] : memref<8x32768xf32, #tpu.memory_space<hbm>> -> memref<8x1024xf32, #tpu.memory_space<hbm>>
      %dma_wait3A_12 = arith.constant 0 : i32
      %dma_wait3A_13 = tpu.memref_slice %arg2[%dma_wait3A_12, %mul3A_2] : memref<8x32768xf32, #tpu.memory_space<hbm>> -> memref<8x1024xf32, #tpu.memory_space<hbm>>
      tpu.wait_dma2 semaphore(%run_scoped3A : memref<!tpu.dma_semaphore, #tpu.memory_space<semaphore_mem>>) src(%dma_wait3A_13 : memref<8x1024xf32, #tpu.memory_space<hbm>>) dst(%arg5 : memref<8x1024xf32, #tpu.memory_space<vmem>>)
      tpu.yield
    }) : () -> ()
    %scan3A = arith.constant 0 : i32
    %scan3A_3 = arith.constant 0 : i32
    %scan3A_4 = arith.constant 64 : i32
    %scan3A_5 = arith.addi %scan3A_3, %scan3A_4 : i32
    %scan3A_6 = arith.constant 4 : i32
    scf.for %scan3A_8 = %scan3A_3 to %scan3A_5 step %scan3A_6  : i32 {
      %mul3A_9 = arith.constant 16 : i32
      %mul3A_10 = arith.muli %scan3A_8, %mul3A_9 : i32
      %get3A = arith.constant 0 : i32
      %get3A_11 = arith.index_cast %get3A : i32 to index
      %get3A_12 = arith.index_cast %mul3A_10 : i32 to index
      %get3A_13 = tpu.vector_load %arg5[%get3A_11, %get3A_12] {strides = array<i32>} : memref<8x1024xf32, #tpu.memory_space<vmem>>, vector<1x16xf32>,
      %get3A_14 = vector.shape_cast %get3A_13 : vector<1x16xf32> to vector<16xf32>
      %get3A_15 = arith.constant 1 : i32
      %get3A_16 = arith.index_cast %get3A_15 : i32 to index
      %get3A_17 = arith.index_cast %mul3A_10 : i32 to index
      %get3A_18 = tpu.vector_load %arg5[%get3A_16, %get3A_17] {strides = array<i32>} : memref<8x1024xf32, #tpu.memory_space<vmem>>, vector<1x16xf32>,
      %get3A_19 = vector.shape_cast %get3A_18 : vector<1x16xf32> to vector<16xf32>
      %get3A_20 = arith.constant 2 : i32
      %get3A_21 = arith.index_cast %get3A_20 : i32 to index
      %get3A_22 = arith.index_cast %mul3A_10 : i32 to index
      %get3A_23 = tpu.vector_load %arg5[%get3A_21, %get3A_22] {strides = array<i32>} : memref<8x1024xf32, #tpu.memory_space<vmem>>, vector<1x16xf32>,
      %get3A_24 = vector.shape_cast %get3A_23 : vector<1x16xf32> to vector<16xf32>
      %get3A_25 = arith.constant 3 : i32
      %get3A_26 = arith.index_cast %get3A_25 : i32 to index
      %get3A_27 = arith.index_cast %mul3A_10 : i32 to index
      %get3A_28 = tpu.vector_load %arg5[%get3A_26, %get3A_27] {strides = array<i32>} : memref<8x1024xf32, #tpu.memory_space<vmem>>, vector<1x16xf32>,
      %get3A_29 = vector.shape_cast %get3A_28 : vector<1x16xf32> to vector<16xf32>
      %get3A_30 = arith.constant 4 : i32
      %get3A_31 = arith.index_cast %get3A_30 : i32 to index
      %get3A_32 = arith.index_cast %mul3A_10 : i32 to index
      %get3A_33 = tpu.vector_load %arg5[%get3A_31, %get3A_32] {strides = array<i32>} : memref<8x1024xf32, #tpu.memory_space<vmem>>, vector<1x16xf32>,
      %get3A_34 = vector.shape_cast %get3A_33 : vector<1x16xf32> to vector<16xf32>
      %get3A_35 = arith.constant 5 : i32
      %get3A_36 = arith.index_cast %get3A_35 : i32 to index
      %get3A_37 = arith.index_cast %mul3A_10 : i32 to index
      %get3A_38 = tpu.vector_load %arg5[%get3A_36, %get3A_37] {strides = array<i32>} : memref<8x1024xf32, #tpu.memory_space<vmem>>, vector<1x16xf32>,
      %get3A_39 = vector.shape_cast %get3A_38 : vector<1x16xf32> to vector<16xf32>
      %get3A_40 = arith.constant 6 : i32
      %get3A_41 = arith.index_cast %get3A_40 : i32 to index
      %get3A_42 = arith.index_cast %mul3A_10 : i32 to index
      %get3A_43 = tpu.vector_load %arg5[%get3A_41, %get3A_42] {strides = array<i32>} : memref<8x1024xf32, #tpu.memory_space<vmem>>, vector<1x16xf32>,
      %get3A_44 = vector.shape_cast %get3A_43 : vector<1x16xf32> to vector<16xf32>
      %get3A_45 = arith.constant 7 : i32
      %get3A_46 = arith.index_cast %get3A_45 : i32 to index
      %get3A_47 = arith.index_cast %mul3A_10 : i32 to index
      %get3A_48 = tpu.vector_load %arg5[%get3A_46, %get3A_47] {strides = array<i32>} : memref<8x1024xf32, #tpu.memory_space<vmem>>, vector<1x16xf32>,
      %get3A_49 = vector.shape_cast %get3A_48 : vector<1x16xf32> to vector<16xf32>
      %max3A = arith.maximumf %get3A_14, %get3A_19 : vector<16xf32>
      %max3A_50 = arith.maximumf %max3A, %get3A_24 : vector<16xf32>
      %max3A_51 = arith.maximumf %max3A_50, %get3A_29 : vector<16xf32>
      %max3A_52 = arith.maximumf %max3A_51, %get3A_34 : vector<16xf32>
      %max3A_53 = arith.maximumf %max3A_52, %get3A_39 : vector<16xf32>
      %max3A_54 = arith.maximumf %max3A_53, %get3A_44 : vector<16xf32>
      %max3A_55 = arith.maximumf %max3A_54, %get3A_49 : vector<16xf32>
      %broadcast_in_dim3A = arith.constant 7 : i32
      %broadcast_in_dim3A_56 = vector.broadcast %broadcast_in_dim3A : i32 to vector<16xi32>
      %eq3A = arith.cmpf oeq, %get3A_44, %max3A_55 : vector<16xf32>
      %jit3A = arith.constant 6 : i32
      %broadcast_in_dim3A_57 = vector.broadcast %jit3A : i32 to vector<16xi32>
      %select_n3A = arith.select %eq3A, %broadcast_in_dim3A_57, %broadcast_in_dim3A_56 : vector<16xi1>, vector<16xi32>
      %eq3A_58 = arith.cmpf oeq, %get3A_39, %max3A_55 : vector<16xf32>
      %jit3A_59 = arith.constant 5 : i32
      %broadcast_in_dim3A_60 = vector.broadcast %jit3A_59 : i32 to vector<16xi32>
      %select_n3A_61 = arith.select %eq3A_58, %broadcast_in_dim3A_60, %select_n3A : vector<16xi1>, vector<16xi32>
      %eq3A_62 = arith.cmpf oeq, %get3A_34, %max3A_55 : vector<16xf32>
      %jit3A_63 = arith.constant 4 : i32
      %broadcast_in_dim3A_64 = vector.broadcast %jit3A_63 : i32 to vector<16xi32>
      %select_n3A_65 = arith.select %eq3A_62, %broadcast_in_dim3A_64, %select_n3A_61 : vector<16xi1>, vector<16xi32>
      %eq3A_66 = arith.cmpf oeq, %get3A_29, %max3A_55 : vector<16xf32>
      %jit3A_67 = arith.constant 3 : i32
      %broadcast_in_dim3A_68 = vector.broadcast %jit3A_67 : i32 to vector<16xi32>
      %select_n3A_69 = arith.select %eq3A_66, %broadcast_in_dim3A_68, %select_n3A_65 : vector<16xi1>, vector<16xi32>
      %eq3A_70 = arith.cmpf oeq, %get3A_24, %max3A_55 : vector<16xf32>
      %jit3A_71 = arith.constant 2 : i32
      %broadcast_in_dim3A_72 = vector.broadcast %jit3A_71 : i32 to vector<16xi32>
      %select_n3A_73 = arith.select %eq3A_70, %broadcast_in_dim3A_72, %select_n3A_69 : vector<16xi1>, vector<16xi32>
      %eq3A_74 = arith.cmpf oeq, %get3A_19, %max3A_55 : vector<16xf32>
      %jit3A_75 = arith.constant 1 : i32
      %broadcast_in_dim3A_76 = vector.broadcast %jit3A_75 : i32 to vector<16xi32>
      %select_n3A_77 = arith.select %eq3A_74, %broadcast_in_dim3A_76, %select_n3A_73 : vector<16xi1>, vector<16xi32>
      %eq3A_78 = arith.cmpf oeq, %get3A_14, %max3A_55 : vector<16xf32>
      %jit3A_79 = arith.constant 0 : i32
      %broadcast_in_dim3A_80 = vector.broadcast %jit3A_79 : i32 to vector<16xi32>
      %select_n3A_81 = arith.select %eq3A_78, %broadcast_in_dim3A_80, %select_n3A_77 : vector<16xi1>, vector<16xi32>
      %eq3A_82 = arith.constant 0 : i32
      %eq3A_83 = vector.broadcast %eq3A_82 : i32 to vector<16xi32>
      %eq3A_84 = arith.cmpi eq, %select_n3A_81, %eq3A_83 : vector<16xi32>
      %jit3A_85 = arith.constant 0xFF800000 : f32
      %broadcast_in_dim3A_86 = vector.broadcast %jit3A_85 : f32 to vector<16xf32>
      %select_n3A_87 = arith.select %eq3A_84, %broadcast_in_dim3A_86, %get3A_14 : vector<16xi1>, vector<16xf32>
      %eq3A_88 = arith.constant 1 : i32
      %eq3A_89 = vector.broadcast %eq3A_88 : i32 to vector<16xi32>
      %eq3A_90 = arith.cmpi eq, %select_n3A_81, %eq3A_89 : vector<16xi32>
      %jit3A_91 = arith.constant 0xFF800000 : f32
      %broadcast_in_dim3A_92 = vector.broadcast %jit3A_91 : f32 to vector<16xf32>
      %select_n3A_93 = arith.select %eq3A_90, %broadcast_in_dim3A_92, %get3A_19 : vector<16xi1>, vector<16xf32>
      %max3A_94 = arith.maximumf %select_n3A_87, %select_n3A_93 : vector<16xf32>
      %eq3A_95 = arith.constant 2 : i32
      %eq3A_96 = vector.broadcast %eq3A_95 : i32 to vector<16xi32>
      %eq3A_97 = arith.cmpi eq, %select_n3A_81, %eq3A_96 : vector<16xi32>
      %jit3A_98 = arith.constant 0xFF800000 : f32
      %broadcast_in_dim3A_99 = vector.broadcast %jit3A_98 : f32 to vector<16xf32>
      %select_n3A_100 = arith.select %eq3A_97, %broadcast_in_dim3A_99, %get3A_24 : vector<16xi1>, vector<16xf32>
      %max3A_101 = arith.maximumf %max3A_94, %select_n3A_100 : vector<16xf32>
      %eq3A_102 = arith.constant 3 : i32
      %eq3A_103 = vector.broadcast %eq3A_102 : i32 to vector<16xi32>
      %eq3A_104 = arith.cmpi eq, %select_n3A_81, %eq3A_103 : vector<16xi32>
      %jit3A_105 = arith.constant 0xFF800000 : f32
      %broadcast_in_dim3A_106 = vector.broadcast %jit3A_105 : f32 to vector<16xf32>
      %select_n3A_107 = arith.select %eq3A_104, %broadcast_in_dim3A_106, %get3A_29 : vector<16xi1>, vector<16xf32>
      %max3A_108 = arith.maximumf %max3A_101, %select_n3A_107 : vector<16xf32>
      %eq3A_109 = arith.constant 4 : i32
      %eq3A_110 = vector.broadcast %eq3A_109 : i32 to vector<16xi32>
      %eq3A_111 = arith.cmpi eq, %select_n3A_81, %eq3A_110 : vector<16xi32>
      %jit3A_112 = arith.constant 0xFF800000 : f32
      %broadcast_in_dim3A_113 = vector.broadcast %jit3A_112 : f32 to vector<16xf32>
      %select_n3A_114 = arith.select %eq3A_111, %broadcast_in_dim3A_113, %get3A_34 : vector<16xi1>, vector<16xf32>
      %max3A_115 = arith.maximumf %max3A_108, %select_n3A_114 : vector<16xf32>
      %eq3A_116 = arith.constant 5 : i32
      %eq3A_117 = vector.broadcast %eq3A_116 : i32 to vector<16xi32>
      %eq3A_118 = arith.cmpi eq, %select_n3A_81, %eq3A_117 : vector<16xi32>
      %jit3A_119 = arith.constant 0xFF800000 : f32
      %broadcast_in_dim3A_120 = vector.broadcast %jit3A_119 : f32 to vector<16xf32>
      %select_n3A_121 = arith.select %eq3A_118, %broadcast_in_dim3A_120, %get3A_39 : vector<16xi1>, vector<16xf32>
      %max3A_122 = arith.maximumf %max3A_115, %select_n3A_121 : vector<16xf32>
      %eq3A_123 = arith.constant 6 : i32
      %eq3A_124 = vector.broadcast %eq3A_123 : i32 to vector<16xi32>
      %eq3A_125 = arith.cmpi eq, %select_n3A_81, %eq3A_124 : vector<16xi32>
      %jit3A_126 = arith.constant 0xFF800000 : f32
      %broadcast_in_dim3A_127 = vector.broadcast %jit3A_126 : f32 to vector<16xf32>
      %select_n3A_128 = arith.select %eq3A_125, %broadcast_in_dim3A_127, %get3A_44 : vector<16xi1>, vector<16xf32>
      %max3A_129 = arith.maximumf %max3A_122, %select_n3A_128 : vector<16xf32>
      %eq3A_130 = arith.constant 7 : i32
      %eq3A_131 = vector.broadcast %eq3A_130 : i32 to vector<16xi32>
      %eq3A_132 = arith.cmpi eq, %select_n3A_81, %eq3A_131 : vector<16xi32>
      %jit3A_133 = arith.constant 0xFF800000 : f32
      %broadcast_in_dim3A_134 = vector.broadcast %jit3A_133 : f32 to vector<16xf32>
      %select_n3A_135 = arith.select %eq3A_132, %broadcast_in_dim3A_134, %get3A_49 : vector<16xi1>, vector<16xf32>
      %max3A_136 = arith.maximumf %max3A_129, %select_n3A_135 : vector<16xf32>
      %broadcast_in_dim3A_137 = arith.constant 7 : i32
      %broadcast_in_dim3A_138 = vector.broadcast %broadcast_in_dim3A_137 : i32 to vector<16xi32>
      %eq3A_139 = arith.cmpf oeq, %get3A_44, %max3A_136 : vector<16xf32>
      %ne3A = arith.constant 6 : i32
      %ne3A_140 = vector.broadcast %ne3A : i32 to vector<16xi32>
      %ne3A_141 = arith.cmpi ne, %select_n3A_81, %ne3A_140 : vector<16xi32>
      %and3A = arith.andi %eq3A_139, %ne3A_141 : vector<16xi1>
      %jit3A_142 = arith.constant 6 : i32
      %broadcast_in_dim3A_143 = vector.broadcast %jit3A_142 : i32 to vector<16xi32>
      %select_n3A_144 = arith.select %and3A, %broadcast_in_dim3A_143, %broadcast_in_dim3A_138 : vector<16xi1>, vector<16xi32>
      %eq3A_145 = arith.cmpf oeq, %get3A_39, %max3A_136 : vector<16xf32>
      %ne3A_146 = arith.constant 5 : i32
      %ne3A_147 = vector.broadcast %ne3A_146 : i32 to vector<16xi32>
      %ne3A_148 = arith.cmpi ne, %select_n3A_81, %ne3A_147 : vector<16xi32>
      %and3A_149 = arith.andi %eq3A_145, %ne3A_148 : vector<16xi1>
      %jit3A_150 = arith.constant 5 : i32
      %broadcast_in_dim3A_151 = vector.broadcast %jit3A_150 : i32 to vector<16xi32>
      %select_n3A_152 = arith.select %and3A_149, %broadcast_in_dim3A_151, %select_n3A_144 : vector<16xi1>, vector<16xi32>
      %eq3A_153 = arith.cmpf oeq, %get3A_34, %max3A_136 : vector<16xf32>
      %ne3A_154 = arith.constant 4 : i32
      %ne3A_155 = vector.broadcast %ne3A_154 : i32 to vector<16xi32>
      %ne3A_156 = arith.cmpi ne, %select_n3A_81, %ne3A_155 : vector<16xi32>
      %and3A_157 = arith.andi %eq3A_153, %ne3A_156 : vector<16xi1>
      %jit3A_158 = arith.constant 4 : i32
      %broadcast_in_dim3A_159 = vector.broadcast %jit3A_158 : i32 to vector<16xi32>
      %select_n3A_160 = arith.select %and3A_157, %broadcast_in_dim3A_159, %select_n3A_152 : vector<16xi1>, vector<16xi32>
      %eq3A_161 = arith.cmpf oeq, %get3A_29, %max3A_136 : vector<16xf32>
      %ne3A_162 = arith.constant 3 : i32
      %ne3A_163 = vector.broadcast %ne3A_162 : i32 to vector<16xi32>
      %ne3A_164 = arith.cmpi ne, %select_n3A_81, %ne3A_163 : vector<16xi32>
      %and3A_165 = arith.andi %eq3A_161, %ne3A_164 : vector<16xi1>
      %jit3A_166 = arith.constant 3 : i32
      %broadcast_in_dim3A_167 = vector.broadcast %jit3A_166 : i32 to vector<16xi32>
      %select_n3A_168 = arith.select %and3A_165, %broadcast_in_dim3A_167, %select_n3A_160 : vector<16xi1>, vector<16xi32>
      %eq3A_169 = arith.cmpf oeq, %get3A_24, %max3A_136 : vector<16xf32>
      %ne3A_170 = arith.constant 2 : i32
      %ne3A_171 = vector.broadcast %ne3A_170 : i32 to vector<16xi32>
      %ne3A_172 = arith.cmpi ne, %select_n3A_81, %ne3A_171 : vector<16xi32>
      %and3A_173 = arith.andi %eq3A_169, %ne3A_172 : vector<16xi1>
      %jit3A_174 = arith.constant 2 : i32
      %broadcast_in_dim3A_175 = vector.broadcast %jit3A_174 : i32 to vector<16xi32>
      %select_n3A_176 = arith.select %and3A_173, %broadcast_in_dim3A_175, %select_n3A_168 : vector<16xi1>, vector<16xi32>
      %eq3A_177 = arith.cmpf oeq, %get3A_19, %max3A_136 : vector<16xf32>
      %ne3A_178 = arith.constant 1 : i32
      %ne3A_179 = vector.broadcast %ne3A_178 : i32 to vector<16xi32>
      %ne3A_180 = arith.cmpi ne, %select_n3A_81, %ne3A_179 : vector<16xi32>
      %and3A_181 = arith.andi %eq3A_177, %ne3A_180 : vector<16xi1>
      %jit3A_182 = arith.constant 1 : i32
      %broadcast_in_dim3A_183 = vector.broadcast %jit3A_182 : i32 to vector<16xi32>
      %select_n3A_184 = arith.select %and3A_181, %broadcast_in_dim3A_183, %select_n3A_176 : vector<16xi1>, vector<16xi32>
      %eq3A_185 = arith.cmpf oeq, %get3A_14, %max3A_136 : vector<16xf32>
      %ne3A_186 = arith.constant 0 : i32
      %ne3A_187 = vector.broadcast %ne3A_186 : i32 to vector<16xi32>
      %ne3A_188 = arith.cmpi ne, %select_n3A_81, %ne3A_187 : vector<16xi32>
      %and3A_189 = arith.andi %eq3A_185, %ne3A_188 : vector<16xi1>
      %jit3A_190 = arith.constant 0 : i32
      %broadcast_in_dim3A_191 = vector.broadcast %jit3A_190 : i32 to vector<16xi32>
      %select_n3A_192 = arith.select %and3A_189, %broadcast_in_dim3A_191, %select_n3A_184 : vector<16xi1>, vector<16xi32>
      %sub3A = arith.subf %max3A_136, %max3A_55 : vector<16xf32>
      %exp3A = math.exp %sub3A : vector<16xf32>
      %add3A_193 = arith.constant 1.000000e+00 : f32
      %add3A_194 = vector.broadcast %add3A_193 : f32 to vector<16xf32>
      %add3A_195 = arith.addf %add3A_194, %exp3A : vector<16xf32>
      %swap3A = arith.constant 0 : i32
      %swap3A_196 = arith.index_cast %swap3A : i32 to index
      %swap3A_197 = arith.index_cast %mul3A_10 : i32 to index
      %swap3A_198 = tpu.vector_load %arg6[%swap3A_196, %swap3A_197] {strides = array<i32>} : memref<2x1024xi32, #tpu.memory_space<vmem>>, vector<1x16xi32>,
      %swap3A_199 = vector.shape_cast %swap3A_198 : vector<1x16xi32> to vector<16xi32>
      %swap3A_200 = vector.shape_cast %select_n3A_81 : vector<16xi32> to vector<1x16xi32>
      tpu.vector_store %arg6[%swap3A_196, %swap3A_197], %swap3A_200 {strides = array<i32>} : memref<2x1024xi32, #tpu.memory_space<vmem>>, vector<1x16xi32>,
      %swap3A_201 = arith.constant 1 : i32
      %swap3A_202 = arith.index_cast %swap3A_201 : i32 to index
      %swap3A_203 = arith.index_cast %mul3A_10 : i32 to index
      %swap3A_204 = tpu.vector_load %arg6[%swap3A_202, %swap3A_203] {strides = array<i32>} : memref<2x1024xi32, #tpu.memory_space<vmem>>, vector<1x16xi32>,
      %swap3A_205 = vector.shape_cast %swap3A_204 : vector<1x16xi32> to vector<16xi32>
      %swap3A_206 = vector.shape_cast %select_n3A_192 : vector<16xi32> to vector<1x16xi32>
      tpu.vector_store %arg6[%swap3A_202, %swap3A_203], %swap3A_206 {strides = array<i32>} : memref<2x1024xi32, #tpu.memory_space<vmem>>, vector<1x16xi32>,
      %div3A = arith.constant 1.000000e+00 : f32
      %div3A_207 = vector.broadcast %div3A : f32 to vector<16xf32>
      %div3A_208 = arith.divf %div3A_207, %add3A_195 : vector<16xf32>
      %swap3A_209 = arith.constant 0 : i32
      %swap3A_210 = arith.index_cast %swap3A_209 : i32 to index
      %swap3A_211 = arith.index_cast %mul3A_10 : i32 to index
      %swap3A_212 = tpu.vector_load %arg7[%swap3A_210, %swap3A_211] {strides = array<i32>} : memref<2x1024xf32, #tpu.memory_space<vmem>>, vector<1x16xf32>,
      %swap3A_213 = vector.shape_cast %swap3A_212 : vector<1x16xf32> to vector<16xf32>
      %swap3A_214 = vector.shape_cast %div3A_208 : vector<16xf32> to vector<1x16xf32>
      tpu.vector_store %arg7[%swap3A_210, %swap3A_211], %swap3A_214 {strides = array<i32>} : memref<2x1024xf32, #tpu.memory_space<vmem>>, vector<1x16xf32>,
      %div3A_215 = arith.divf %exp3A, %add3A_195 : vector<16xf32>
      %swap3A_216 = arith.constant 1 : i32
      %swap3A_217 = arith.index_cast %swap3A_216 : i32 to index
      %swap3A_218 = arith.index_cast %mul3A_10 : i32 to index
      %swap3A_219 = tpu.vector_load %arg7[%swap3A_217, %swap3A_218] {strides = array<i32>} : memref<2x1024xf32, #tpu.memory_space<vmem>>, vector<1x16xf32>,
      %swap3A_220 = vector.shape_cast %swap3A_219 : vector<1x16xf32> to vector<16xf32>
      %swap3A_221 = vector.shape_cast %div3A_215 : vector<16xf32> to vector<1x16xf32>
      tpu.vector_store %arg7[%swap3A_217, %swap3A_218], %swap3A_221 {strides = array<i32>} : memref<2x1024xf32, #tpu.memory_space<vmem>>, vector<1x16xf32>,
      %scan3A_222 = arith.constant 1 : i32
      %scan3A_223 = arith.addi %scan3A_8, %scan3A_222 : i32
      %mul3A_224 = arith.constant 16 : i32
      %mul3A_225 = arith.muli %scan3A_223, %mul3A_224 : i32
      %get3A_226 = arith.constant 0 : i32
      %get3A_227 = arith.index_cast %get3A_226 : i32 to index
      %get3A_228 = arith.index_cast %mul3A_225 : i32 to index
      %get3A_229 = tpu.vector_load %arg5[%get3A_227, %get3A_228] {strides = array<i32>} : memref<8x1024xf32, #tpu.memory_space<vmem>>, vector<1x16xf32>,
      %get3A_230 = vector.shape_cast %get3A_229 : vector<1x16xf32> to vector<16xf32>
      %get3A_231 = arith.constant 1 : i32
      %get3A_232 = arith.index_cast %get3A_231 : i32 to index
      %get3A_233 = arith.index_cast %mul3A_225 : i32 to index
      %get3A_234 = tpu.vector_load %arg5[%get3A_232, %get3A_233] {strides = array<i32>} : memref<8x1024xf32, #tpu.memory_space<vmem>>, vector<1x16xf32>,
      %get3A_235 = vector.shape_cast %get3A_234 : vector<1x16xf32> to vector<16xf32>
      %get3A_236 = arith.constant 2 : i32
      %get3A_237 = arith.index_cast %get3A_236 : i32 to index
      %get3A_238 = arith.index_cast %mul3A_225 : i32 to index
      %get3A_239 = tpu.vector_load %arg5[%get3A_237, %get3A_238] {strides = array<i32>} : memref<8x1024xf32, #tpu.memory_space<vmem>>, vector<1x16xf32>,
      %get3A_240 = vector.shape_cast %get3A_239 : vector<1x16xf32> to vector<16xf32>
      %get3A_241 = arith.constant 3 : i32
      %get3A_242 = arith.index_cast %get3A_241 : i32 to index
      %get3A_243 = arith.index_cast %mul3A_225 : i32 to index
      %get3A_244 = tpu.vector_load %arg5[%get3A_242, %get3A_243] {strides = array<i32>} : memref<8x1024xf32, #tpu.memory_space<vmem>>, vector<1x16xf32>,
      %get3A_245 = vector.shape_cast %get3A_244 : vector<1x16xf32> to vector<16xf32>
      %get3A_246 = arith.constant 4 : i32
      %get3A_247 = arith.index_cast %get3A_246 : i32 to index
      %get3A_248 = arith.index_cast %mul3A_225 : i32 to index
      %get3A_249 = tpu.vector_load %arg5[%get3A_247, %get3A_248] {strides = array<i32>} : memref<8x1024xf32, #tpu.memory_space<vmem>>, vector<1x16xf32>,
      %get3A_250 = vector.shape_cast %get3A_249 : vector<1x16xf32> to vector<16xf32>
      %get3A_251 = arith.constant 5 : i32
      %get3A_252 = arith.index_cast %get3A_251 : i32 to index
      %get3A_253 = arith.index_cast %mul3A_225 : i32 to index
      %get3A_254 = tpu.vector_load %arg5[%get3A_252, %get3A_253] {strides = array<i32>} : memref<8x1024xf32, #tpu.memory_space<vmem>>, vector<1x16xf32>,
      %get3A_255 = vector.shape_cast %get3A_254 : vector<1x16xf32> to vector<16xf32>
      %get3A_256 = arith.constant 6 : i32
      %get3A_257 = arith.index_cast %get3A_256 : i32 to index
      %get3A_258 = arith.index_cast %mul3A_225 : i32 to index
      %get3A_259 = tpu.vector_load %arg5[%get3A_257, %get3A_258] {strides = array<i32>} : memref<8x1024xf32, #tpu.memory_space<vmem>>, vector<1x16xf32>,
      %get3A_260 = vector.shape_cast %get3A_259 : vector<1x16xf32> to vector<16xf32>
      %get3A_261 = arith.constant 7 : i32
      %get3A_262 = arith.index_cast %get3A_261 : i32 to index
      %get3A_263 = arith.index_cast %mul3A_225 : i32 to index
      %get3A_264 = tpu.vector_load %arg5[%get3A_262, %get3A_263] {strides = array<i32>} : memref<8x1024xf32, #tpu.memory_space<vmem>>, vector<1x16xf32>,
      %get3A_265 = vector.shape_cast %get3A_264 : vector<1x16xf32> to vector<16xf32>
      %max3A_266 = arith.maximumf %get3A_230, %get3A_235 : vector<16xf32>
      %max3A_267 = arith.maximumf %max3A_266, %get3A_240 : vector<16xf32>
      %max3A_268 = arith.maximumf %max3A_267, %get3A_245 : vector<16xf32>
      %max3A_269 = arith.maximumf %max3A_268, %get3A_250 : vector<16xf32>
      %max3A_270 = arith.maximumf %max3A_269, %get3A_255 : vector<16xf32>
      %max3A_271 = arith.maximumf %max3A_270, %get3A_260 : vector<16xf32>
      %max3A_272 = arith.maximumf %max3A_271, %get3A_265 : vector<16xf32>
      %broadcast_in_dim3A_273 = arith.constant 7 : i32
      %broadcast_in_dim3A_274 = vector.broadcast %broadcast_in_dim3A_273 : i32 to vector<16xi32>
      %eq3A_275 = arith.cmpf oeq, %get3A_260, %max3A_272 : vector<16xf32>
      %jit3A_276 = arith.constant 6 : i32
      %broadcast_in_dim3A_277 = vector.broadcast %jit3A_276 : i32 to vector<16xi32>
      %select_n3A_278 = arith.select %eq3A_275, %broadcast_in_dim3A_277, %broadcast_in_dim3A_274 : vector<16xi1>, vector<16xi32>
      %eq3A_279 = arith.cmpf oeq, %get3A_255, %max3A_272 : vector<16xf32>
      %jit3A_280 = arith.constant 5 : i32
      %broadcast_in_dim3A_281 = vector.broadcast %jit3A_280 : i32 to vector<16xi32>
      %select_n3A_282 = arith.select %eq3A_279, %broadcast_in_dim3A_281, %select_n3A_278 : vector<16xi1>, vector<16xi32>
      %eq3A_283 = arith.cmpf oeq, %get3A_250, %max3A_272 : vector<16xf32>
      %jit3A_284 = arith.constant 4 : i32
      %broadcast_in_dim3A_285 = vector.broadcast %jit3A_284 : i32 to vector<16xi32>
      %select_n3A_286 = arith.select %eq3A_283, %broadcast_in_dim3A_285, %select_n3A_282 : vector<16xi1>, vector<16xi32>
      %eq3A_287 = arith.cmpf oeq, %get3A_245, %max3A_272 : vector<16xf32>
      %jit3A_288 = arith.constant 3 : i32
      %broadcast_in_dim3A_289 = vector.broadcast %jit3A_288 : i32 to vector<16xi32>
      %select_n3A_290 = arith.select %eq3A_287, %broadcast_in_dim3A_289, %select_n3A_286 : vector<16xi1>, vector<16xi32>
      %eq3A_291 = arith.cmpf oeq, %get3A_240, %max3A_272 : vector<16xf32>
      %jit3A_292 = arith.constant 2 : i32
      %broadcast_in_dim3A_293 = vector.broadcast %jit3A_292 : i32 to vector<16xi32>
      %select_n3A_294 = arith.select %eq3A_291, %broadcast_in_dim3A_293, %select_n3A_290 : vector<16xi1>, vector<16xi32>
      %eq3A_295 = arith.cmpf oeq, %get3A_235, %max3A_272 : vector<16xf32>
      %jit3A_296 = arith.constant 1 : i32
      %broadcast_in_dim3A_297 = vector.broadcast %jit3A_296 : i32 to vector<16xi32>
      %select_n3A_298 = arith.select %eq3A_295, %broadcast_in_dim3A_297, %select_n3A_294 : vector<16xi1>, vector<16xi32>
      %eq3A_299 = arith.cmpf oeq, %get3A_230, %max3A_272 : vector<16xf32>
      %jit3A_300 = arith.constant 0 : i32
      %broadcast_in_dim3A_301 = vector.broadcast %jit3A_300 : i32 to vector<16xi32>
      %select_n3A_302 = arith.select %eq3A_299, %broadcast_in_dim3A_301, %select_n3A_298 : vector<16xi1>, vector<16xi32>
      %eq3A_303 = arith.constant 0 : i32
      %eq3A_304 = vector.broadcast %eq3A_303 : i32 to vector<16xi32>
      %eq3A_305 = arith.cmpi eq, %select_n3A_302, %eq3A_304 : vector<16xi32>
      %jit3A_306 = arith.constant 0xFF800000 : f32
      %broadcast_in_dim3A_307 = vector.broadcast %jit3A_306 : f32 to vector<16xf32>
      %select_n3A_308 = arith.select %eq3A_305, %broadcast_in_dim3A_307, %get3A_230 : vector<16xi1>, vector<16xf32>
      %eq3A_309 = arith.constant 1 : i32
      %eq3A_310 = vector.broadcast %eq3A_309 : i32 to vector<16xi32>
      %eq3A_311 = arith.cmpi eq, %select_n3A_302, %eq3A_310 : vector<16xi32>
      %jit3A_312 = arith.constant 0xFF800000 : f32
      %broadcast_in_dim3A_313 = vector.broadcast %jit3A_312 : f32 to vector<16xf32>
      %select_n3A_314 = arith.select %eq3A_311, %broadcast_in_dim3A_313, %get3A_235 : vector<16xi1>, vector<16xf32>
      %max3A_315 = arith.maximumf %select_n3A_308, %select_n3A_314 : vector<16xf32>
      %eq3A_316 = arith.constant 2 : i32
      %eq3A_317 = vector.broadcast %eq3A_316 : i32 to vector<16xi32>
      %eq3A_318 = arith.cmpi eq, %select_n3A_302, %eq3A_317 : vector<16xi32>
      %jit3A_319 = arith.constant 0xFF800000 : f32
      %broadcast_in_dim3A_320 = vector.broadcast %jit3A_319 : f32 to vector<16xf32>
      %select_n3A_321 = arith.select %eq3A_318, %broadcast_in_dim3A_320, %get3A_240 : vector<16xi1>, vector<16xf32>
      %max3A_322 = arith.maximumf %max3A_315, %select_n3A_321 : vector<16xf32>
      %eq3A_323 = arith.constant 3 : i32
      %eq3A_324 = vector.broadcast %eq3A_323 : i32 to vector<16xi32>
      %eq3A_325 = arith.cmpi eq, %select_n3A_302, %eq3A_324 : vector<16xi32>
      %jit3A_326 = arith.constant 0xFF800000 : f32
      %broadcast_in_dim3A_327 = vector.broadcast %jit3A_326 : f32 to vector<16xf32>
      %select_n3A_328 = arith.select %eq3A_325, %broadcast_in_dim3A_327, %get3A_245 : vector<16xi1>, vector<16xf32>
      %max3A_329 = arith.maximumf %max3A_322, %select_n3A_328 : vector<16xf32>
      %eq3A_330 = arith.constant 4 : i32
      %eq3A_331 = vector.broadcast %eq3A_330 : i32 to vector<16xi32>
      %eq3A_332 = arith.cmpi eq, %select_n3A_302, %eq3A_331 : vector<16xi32>
      %jit3A_333 = arith.constant 0xFF800000 : f32
      %broadcast_in_dim3A_334 = vector.broadcast %jit3A_333 : f32 to vector<16xf32>
      %select_n3A_335 = arith.select %eq3A_332, %broadcast_in_dim3A_334, %get3A_250 : vector<16xi1>, vector<16xf32>
      %max3A_336 = arith.maximumf %max3A_329, %select_n3A_335 : vector<16xf32>
      %eq3A_337 = arith.constant 5 : i32
      %eq3A_338 = vector.broadcast %eq3A_337 : i32 to vector<16xi32>
      %eq3A_339 = arith.cmpi eq, %select_n3A_302, %eq3A_338 : vector<16xi32>
      %jit3A_340 = arith.constant 0xFF800000 : f32
      %broadcast_in_dim3A_341 = vector.broadcast %jit3A_340 : f32 to vector<16xf32>
      %select_n3A_342 = arith.select %eq3A_339, %broadcast_in_dim3A_341, %get3A_255 : vector<16xi1>, vector<16xf32>
      %max3A_343 = arith.maximumf %max3A_336, %select_n3A_342 : vector<16xf32>
      %eq3A_344 = arith.constant 6 : i32
      %eq3A_345 = vector.broadcast %eq3A_344 : i32 to vector<16xi32>
      %eq3A_346 = arith.cmpi eq, %select_n3A_302, %eq3A_345 : vector<16xi32>
      %jit3A_347 = arith.constant 0xFF800000 : f32
      %broadcast_in_dim3A_348 = vector.broadcast %jit3A_347 : f32 to vector<16xf32>
      %select_n3A_349 = arith.select %eq3A_346, %broadcast_in_dim3A_348, %get3A_260 : vector<16xi1>, vector<16xf32>
      %max3A_350 = arith.maximumf %max3A_343, %select_n3A_349 : vector<16xf32>
      %eq3A_351 = arith.constant 7 : i32
      %eq3A_352 = vector.broadcast %eq3A_351 : i32 to vector<16xi32>
      %eq3A_353 = arith.cmpi eq, %select_n3A_302, %eq3A_352 : vector<16xi32>
      %jit3A_354 = arith.constant 0xFF800000 : f32
      %broadcast_in_dim3A_355 = vector.broadcast %jit3A_354 : f32 to vector<16xf32>
      %select_n3A_356 = arith.select %eq3A_353, %broadcast_in_dim3A_355, %get3A_265 : vector<16xi1>, vector<16xf32>
      %max3A_357 = arith.maximumf %max3A_350, %select_n3A_356 : vector<16xf32>
      %broadcast_in_dim3A_358 = arith.constant 7 : i32
      %broadcast_in_dim3A_359 = vector.broadcast %broadcast_in_dim3A_358 : i32 to vector<16xi32>
      %eq3A_360 = arith.cmpf oeq, %get3A_260, %max3A_357 : vector<16xf32>
      %ne3A_361 = arith.constant 6 : i32
      %ne3A_362 = vector.broadcast %ne3A_361 : i32 to vector<16xi32>
      %ne3A_363 = arith.cmpi ne, %select_n3A_302, %ne3A_362 : vector<16xi32>
      %and3A_364 = arith.andi %eq3A_360, %ne3A_363 : vector<16xi1>
      %jit3A_365 = arith.constant 6 : i32
      %broadcast_in_dim3A_366 = vector.broadcast %jit3A_365 : i32 to vector<16xi32>
      %select_n3A_367 = arith.select %and3A_364, %broadcast_in_dim3A_366, %broadcast_in_dim3A_359 : vector<16xi1>, vector<16xi32>
      %eq3A_368 = arith.cmpf oeq, %get3A_255, %max3A_357 : vector<16xf32>
      %ne3A_369 = arith.constant 5 : i32
      %ne3A_370 = vector.broadcast %ne3A_369 : i32 to vector<16xi32>
      %ne3A_371 = arith.cmpi ne, %select_n3A_302, %ne3A_370 : vector<16xi32>
      %and3A_372 = arith.andi %eq3A_368, %ne3A_371 : vector<16xi1>
      %jit3A_373 = arith.constant 5 : i32
      %broadcast_in_dim3A_374 = vector.broadcast %jit3A_373 : i32 to vector<16xi32>
      %select_n3A_375 = arith.select %and3A_372, %broadcast_in_dim3A_374, %select_n3A_367 : vector<16xi1>, vector<16xi32>
      %eq3A_376 = arith.cmpf oeq, %get3A_250, %max3A_357 : vector<16xf32>
      %ne3A_377 = arith.constant 4 : i32
      %ne3A_378 = vector.broadcast %ne3A_377 : i32 to vector<16xi32>
      %ne3A_379 = arith.cmpi ne, %select_n3A_302, %ne3A_378 : vector<16xi32>
      %and3A_380 = arith.andi %eq3A_376, %ne3A_379 : vector<16xi1>
      %jit3A_381 = arith.constant 4 : i32
      %broadcast_in_dim3A_382 = vector.broadcast %jit3A_381 : i32 to vector<16xi32>
      %select_n3A_383 = arith.select %and3A_380, %broadcast_in_dim3A_382, %select_n3A_375 : vector<16xi1>, vector<16xi32>
      %eq3A_384 = arith.cmpf oeq, %get3A_245, %max3A_357 : vector<16xf32>
      %ne3A_385 = arith.constant 3 : i32
      %ne3A_386 = vector.broadcast %ne3A_385 : i32 to vector<16xi32>
      %ne3A_387 = arith.cmpi ne, %select_n3A_302, %ne3A_386 : vector<16xi32>
      %and3A_388 = arith.andi %eq3A_384, %ne3A_387 : vector<16xi1>
      %jit3A_389 = arith.constant 3 : i32
      %broadcast_in_dim3A_390 = vector.broadcast %jit3A_389 : i32 to vector<16xi32>
      %select_n3A_391 = arith.select %and3A_388, %broadcast_in_dim3A_390, %select_n3A_383 : vector<16xi1>, vector<16xi32>
      %eq3A_392 = arith.cmpf oeq, %get3A_240, %max3A_357 : vector<16xf32>
      %ne3A_393 = arith.constant 2 : i32
      %ne3A_394 = vector.broadcast %ne3A_393 : i32 to vector<16xi32>
      %ne3A_395 = arith.cmpi ne, %select_n3A_302, %ne3A_394 : vector<16xi32>
      %and3A_396 = arith.andi %eq3A_392, %ne3A_395 : vector<16xi1>
      %jit3A_397 = arith.constant 2 : i32
      %broadcast_in_dim3A_398 = vector.broadcast %jit3A_397 : i32 to vector<16xi32>
      %select_n3A_399 = arith.select %and3A_396, %broadcast_in_dim3A_398, %select_n3A_391 : vector<16xi1>, vector<16xi32>
      %eq3A_400 = arith.cmpf oeq, %get3A_235, %max3A_357 : vector<16xf32>
      %ne3A_401 = arith.constant 1 : i32
      %ne3A_402 = vector.broadcast %ne3A_401 : i32 to vector<16xi32>
      %ne3A_403 = arith.cmpi ne, %select_n3A_302, %ne3A_402 : vector<16xi32>
      %and3A_404 = arith.andi %eq3A_400, %ne3A_403 : vector<16xi1>
      %jit3A_405 = arith.constant 1 : i32
      %broadcast_in_dim3A_406 = vector.broadcast %jit3A_405 : i32 to vector<16xi32>
      %select_n3A_407 = arith.select %and3A_404, %broadcast_in_dim3A_406, %select_n3A_399 : vector<16xi1>, vector<16xi32>
      %eq3A_408 = arith.cmpf oeq, %get3A_230, %max3A_357 : vector<16xf32>
      %ne3A_409 = arith.constant 0 : i32
      %ne3A_410 = vector.broadcast %ne3A_409 : i32 to vector<16xi32>
      %ne3A_411 = arith.cmpi ne, %select_n3A_302, %ne3A_410 : vector<16xi32>
      %and3A_412 = arith.andi %eq3A_408, %ne3A_411 : vector<16xi1>
      %jit3A_413 = arith.constant 0 : i32
      %broadcast_in_dim3A_414 = vector.broadcast %jit3A_413 : i32 to vector<16xi32>
      %select_n3A_415 = arith.select %and3A_412, %broadcast_in_dim3A_414, %select_n3A_407 : vector<16xi1>, vector<16xi32>
      %sub3A_416 = arith.subf %max3A_357, %max3A_272 : vector<16xf32>
      %exp3A_417 = math.exp %sub3A_416 : vector<16xf32>
      %add3A_418 = arith.constant 1.000000e+00 : f32
      %add3A_419 = vector.broadcast %add3A_418 : f32 to vector<16xf32>
      %add3A_420 = arith.addf %add3A_419, %exp3A_417 : vector<16xf32>
      %swap3A_421 = arith.constant 0 : i32
      %swap3A_422 = arith.index_cast %swap3A_421 : i32 to index
      %swap3A_423 = arith.index_cast %mul3A_225 : i32 to index
      %swap3A_424 = tpu.vector_load %arg6[%swap3A_422, %swap3A_423] {strides = array<i32>} : memref<2x1024xi32, #tpu.memory_space<vmem>>, vector<1x16xi32>,
      %swap3A_425 = vector.shape_cast %swap3A_424 : vector<1x16xi32> to vector<16xi32>
      %swap3A_426 = vector.shape_cast %select_n3A_302 : vector<16xi32> to vector<1x16xi32>
      tpu.vector_store %arg6[%swap3A_422, %swap3A_423], %swap3A_426 {strides = array<i32>} : memref<2x1024xi32, #tpu.memory_space<vmem>>, vector<1x16xi32>,
      %swap3A_427 = arith.constant 1 : i32
      %swap3A_428 = arith.index_cast %swap3A_427 : i32 to index
      %swap3A_429 = arith.index_cast %mul3A_225 : i32 to index
      %swap3A_430 = tpu.vector_load %arg6[%swap3A_428, %swap3A_429] {strides = array<i32>} : memref<2x1024xi32, #tpu.memory_space<vmem>>, vector<1x16xi32>,
      %swap3A_431 = vector.shape_cast %swap3A_430 : vector<1x16xi32> to vector<16xi32>
      %swap3A_432 = vector.shape_cast %select_n3A_415 : vector<16xi32> to vector<1x16xi32>
      tpu.vector_store %arg6[%swap3A_428, %swap3A_429], %swap3A_432 {strides = array<i32>} : memref<2x1024xi32, #tpu.memory_space<vmem>>, vector<1x16xi32>,
      %div3A_433 = arith.constant 1.000000e+00 : f32
      %div3A_434 = vector.broadcast %div3A_433 : f32 to vector<16xf32>
      %div3A_435 = arith.divf %div3A_434, %add3A_420 : vector<16xf32>
      %swap3A_436 = arith.constant 0 : i32
      %swap3A_437 = arith.index_cast %swap3A_436 : i32 to index
      %swap3A_438 = arith.index_cast %mul3A_225 : i32 to index
      %swap3A_439 = tpu.vector_load %arg7[%swap3A_437, %swap3A_438] {strides = array<i32>} : memref<2x1024xf32, #tpu.memory_space<vmem>>, vector<1x16xf32>,
      %swap3A_440 = vector.shape_cast %swap3A_439 : vector<1x16xf32> to vector<16xf32>
      %swap3A_441 = vector.shape_cast %div3A_435 : vector<16xf32> to vector<1x16xf32>
      tpu.vector_store %arg7[%swap3A_437, %swap3A_438], %swap3A_441 {strides = array<i32>} : memref<2x1024xf32, #tpu.memory_space<vmem>>, vector<1x16xf32>,
      %div3A_442 = arith.divf %exp3A_417, %add3A_420 : vector<16xf32>
      %swap3A_443 = arith.constant 1 : i32
      %swap3A_444 = arith.index_cast %swap3A_443 : i32 to index
      %swap3A_445 = arith.index_cast %mul3A_225 : i32 to index
      %swap3A_446 = tpu.vector_load %arg7[%swap3A_444, %swap3A_445] {strides = array<i32>} : memref<2x1024xf32, #tpu.memory_space<vmem>>, vector<1x16xf32>,
      %swap3A_447 = vector.shape_cast %swap3A_446 : vector<1x16xf32> to vector<16xf32>
      %swap3A_448 = vector.shape_cast %div3A_442 : vector<16xf32> to vector<1x16xf32>
      tpu.vector_store %arg7[%swap3A_444, %swap3A_445], %swap3A_448 {strides = array<i32>} : memref<2x1024xf32, #tpu.memory_space<vmem>>, vector<1x16xf32>,
      %scan3A_449 = arith.constant 2 : i32
      %scan3A_450 = arith.addi %scan3A_8, %scan3A_449 : i32
      %mul3A_451 = arith.constant 16 : i32
      %mul3A_452 = arith.muli %scan3A_450, %mul3A_451 : i32
      %get3A_453 = arith.constant 0 : i32
      %get3A_454 = arith.index_cast %get3A_453 : i32 to index
      %get3A_455 = arith.index_cast %mul3A_452 : i32 to index
      %get3A_456 = tpu.vector_load %arg5[%get3A_454, %get3A_455] {strides = array<i32>} : memref<8x1024xf32, #tpu.memory_space<vmem>>, vector<1x16xf32>,
      %get3A_457 = vector.shape_cast %get3A_456 : vector<1x16xf32> to vector<16xf32>
      %get3A_458 = arith.constant 1 : i32
      %get3A_459 = arith.index_cast %get3A_458 : i32 to index
      %get3A_460 = arith.index_cast %mul3A_452 : i32 to index
      %get3A_461 = tpu.vector_load %arg5[%get3A_459, %get3A_460] {strides = array<i32>} : memref<8x1024xf32, #tpu.memory_space<vmem>>, vector<1x16xf32>,
      %get3A_462 = vector.shape_cast %get3A_461 : vector<1x16xf32> to vector<16xf32>
      %get3A_463 = arith.constant 2 : i32
      %get3A_464 = arith.index_cast %get3A_463 : i32 to index
      %get3A_465 = arith.index_cast %mul3A_452 : i32 to index
      %get3A_466 = tpu.vector_load %arg5[%get3A_464, %get3A_465] {strides = array<i32>} : memref<8x1024xf32, #tpu.memory_space<vmem>>, vector<1x16xf32>,
      %get3A_467 = vector.shape_cast %get3A_466 : vector<1x16xf32> to vector<16xf32>
      %get3A_468 = arith.constant 3 : i32
      %get3A_469 = arith.index_cast %get3A_468 : i32 to index
      %get3A_470 = arith.index_cast %mul3A_452 : i32 to index
      %get3A_471 = tpu.vector_load %arg5[%get3A_469, %get3A_470] {strides = array<i32>} : memref<8x1024xf32, #tpu.memory_space<vmem>>, vector<1x16xf32>,
      %get3A_472 = vector.shape_cast %get3A_471 : vector<1x16xf32> to vector<16xf32>
      %get3A_473 = arith.constant 4 : i32
      %get3A_474 = arith.index_cast %get3A_473 : i32 to index
      %get3A_475 = arith.index_cast %mul3A_452 : i32 to index
      %get3A_476 = tpu.vector_load %arg5[%get3A_474, %get3A_475] {strides = array<i32>} : memref<8x1024xf32, #tpu.memory_space<vmem>>, vector<1x16xf32>,
      %get3A_477 = vector.shape_cast %get3A_476 : vector<1x16xf32> to vector<16xf32>
      %get3A_478 = arith.constant 5 : i32
      %get3A_479 = arith.index_cast %get3A_478 : i32 to index
      %get3A_480 = arith.index_cast %mul3A_452 : i32 to index
      %get3A_481 = tpu.vector_load %arg5[%get3A_479, %get3A_480] {strides = array<i32>} : memref<8x1024xf32, #tpu.memory_space<vmem>>, vector<1x16xf32>,
      %get3A_482 = vector.shape_cast %get3A_481 : vector<1x16xf32> to vector<16xf32>
      %get3A_483 = arith.constant 6 : i32
      %get3A_484 = arith.index_cast %get3A_483 : i32 to index
      %get3A_485 = arith.index_cast %mul3A_452 : i32 to index
      %get3A_486 = tpu.vector_load %arg5[%get3A_484, %get3A_485] {strides = array<i32>} : memref<8x1024xf32, #tpu.memory_space<vmem>>, vector<1x16xf32>,
      %get3A_487 = vector.shape_cast %get3A_486 : vector<1x16xf32> to vector<16xf32>
      %get3A_488 = arith.constant 7 : i32
      %get3A_489 = arith.index_cast %get3A_488 : i32 to index
      %get3A_490 = arith.index_cast %mul3A_452 : i32 to index
      %get3A_491 = tpu.vector_load %arg5[%get3A_489, %get3A_490] {strides = array<i32>} : memref<8x1024xf32, #tpu.memory_space<vmem>>, vector<1x16xf32>,
      %get3A_492 = vector.shape_cast %get3A_491 : vector<1x16xf32> to vector<16xf32>
      %max3A_493 = arith.maximumf %get3A_457, %get3A_462 : vector<16xf32>
      %max3A_494 = arith.maximumf %max3A_493, %get3A_467 : vector<16xf32>
      %max3A_495 = arith.maximumf %max3A_494, %get3A_472 : vector<16xf32>
      %max3A_496 = arith.maximumf %max3A_495, %get3A_477 : vector<16xf32>
      %max3A_497 = arith.maximumf %max3A_496, %get3A_482 : vector<16xf32>
      %max3A_498 = arith.maximumf %max3A_497, %get3A_487 : vector<16xf32>
      %max3A_499 = arith.maximumf %max3A_498, %get3A_492 : vector<16xf32>
      %broadcast_in_dim3A_500 = arith.constant 7 : i32
      %broadcast_in_dim3A_501 = vector.broadcast %broadcast_in_dim3A_500 : i32 to vector<16xi32>
      %eq3A_502 = arith.cmpf oeq, %get3A_487, %max3A_499 : vector<16xf32>
      %jit3A_503 = arith.constant 6 : i32
      %broadcast_in_dim3A_504 = vector.broadcast %jit3A_503 : i32 to vector<16xi32>
      %select_n3A_505 = arith.select %eq3A_502, %broadcast_in_dim3A_504, %broadcast_in_dim3A_501 : vector<16xi1>, vector<16xi32>
      %eq3A_506 = arith.cmpf oeq, %get3A_482, %max3A_499 : vector<16xf32>
      %jit3A_507 = arith.constant 5 : i32
      %broadcast_in_dim3A_508 = vector.broadcast %jit3A_507 : i32 to vector<16xi32>
      %select_n3A_509 = arith.select %eq3A_506, %broadcast_in_dim3A_508, %select_n3A_505 : vector<16xi1>, vector<16xi32>
      %eq3A_510 = arith.cmpf oeq, %get3A_477, %max3A_499 : vector<16xf32>
      %jit3A_511 = arith.constant 4 : i32
      %broadcast_in_dim3A_512 = vector.broadcast %jit3A_511 : i32 to vector<16xi32>
      %select_n3A_513 = arith.select %eq3A_510, %broadcast_in_dim3A_512, %select_n3A_509 : vector<16xi1>, vector<16xi32>
      %eq3A_514 = arith.cmpf oeq, %get3A_472, %max3A_499 : vector<16xf32>
      %jit3A_515 = arith.constant 3 : i32
      %broadcast_in_dim3A_516 = vector.broadcast %jit3A_515 : i32 to vector<16xi32>
      %select_n3A_517 = arith.select %eq3A_514, %broadcast_in_dim3A_516, %select_n3A_513 : vector<16xi1>, vector<16xi32>
      %eq3A_518 = arith.cmpf oeq, %get3A_467, %max3A_499 : vector<16xf32>
      %jit3A_519 = arith.constant 2 : i32
      %broadcast_in_dim3A_520 = vector.broadcast %jit3A_519 : i32 to vector<16xi32>
      %select_n3A_521 = arith.select %eq3A_518, %broadcast_in_dim3A_520, %select_n3A_517 : vector<16xi1>, vector<16xi32>
      %eq3A_522 = arith.cmpf oeq, %get3A_462, %max3A_499 : vector<16xf32>
      %jit3A_523 = arith.constant 1 : i32
      %broadcast_in_dim3A_524 = vector.broadcast %jit3A_523 : i32 to vector<16xi32>
      %select_n3A_525 = arith.select %eq3A_522, %broadcast_in_dim3A_524, %select_n3A_521 : vector<16xi1>, vector<16xi32>
      %eq3A_526 = arith.cmpf oeq, %get3A_457, %max3A_499 : vector<16xf32>
      %jit3A_527 = arith.constant 0 : i32
      %broadcast_in_dim3A_528 = vector.broadcast %jit3A_527 : i32 to vector<16xi32>
      %select_n3A_529 = arith.select %eq3A_526, %broadcast_in_dim3A_528, %select_n3A_525 : vector<16xi1>, vector<16xi32>
      %eq3A_530 = arith.constant 0 : i32
      %eq3A_531 = vector.broadcast %eq3A_530 : i32 to vector<16xi32>
      %eq3A_532 = arith.cmpi eq, %select_n3A_529, %eq3A_531 : vector<16xi32>
      %jit3A_533 = arith.constant 0xFF800000 : f32
      %broadcast_in_dim3A_534 = vector.broadcast %jit3A_533 : f32 to vector<16xf32>
      %select_n3A_535 = arith.select %eq3A_532, %broadcast_in_dim3A_534, %get3A_457 : vector<16xi1>, vector<16xf32>
      %eq3A_536 = arith.constant 1 : i32
      %eq3A_537 = vector.broadcast %eq3A_536 : i32 to vector<16xi32>
      %eq3A_538 = arith.cmpi eq, %select_n3A_529, %eq3A_537 : vector<16xi32>
      %jit3A_539 = arith.constant 0xFF800000 : f32
      %broadcast_in_dim3A_540 = vector.broadcast %jit3A_539 : f32 to vector<16xf32>
      %select_n3A_541 = arith.select %eq3A_538, %broadcast_in_dim3A_540, %get3A_462 : vector<16xi1>, vector<16xf32>
      %max3A_542 = arith.maximumf %select_n3A_535, %select_n3A_541 : vector<16xf32>
      %eq3A_543 = arith.constant 2 : i32
      %eq3A_544 = vector.broadcast %eq3A_543 : i32 to vector<16xi32>
      %eq3A_545 = arith.cmpi eq, %select_n3A_529, %eq3A_544 : vector<16xi32>
      %jit3A_546 = arith.constant 0xFF800000 : f32
      %broadcast_in_dim3A_547 = vector.broadcast %jit3A_546 : f32 to vector<16xf32>
      %select_n3A_548 = arith.select %eq3A_545, %broadcast_in_dim3A_547, %get3A_467 : vector<16xi1>, vector<16xf32>
      %max3A_549 = arith.maximumf %max3A_542, %select_n3A_548 : vector<16xf32>
      %eq3A_550 = arith.constant 3 : i32
      %eq3A_551 = vector.broadcast %eq3A_550 : i32 to vector<16xi32>
      %eq3A_552 = arith.cmpi eq, %select_n3A_529, %eq3A_551 : vector<16xi32>
      %jit3A_553 = arith.constant 0xFF800000 : f32
      %broadcast_in_dim3A_554 = vector.broadcast %jit3A_553 : f32 to vector<16xf32>
      %select_n3A_555 = arith.select %eq3A_552, %broadcast_in_dim3A_554, %get3A_472 : vector<16xi1>, vector<16xf32>
      %max3A_556 = arith.maximumf %max3A_549, %select_n3A_555 : vector<16xf32>
      %eq3A_557 = arith.constant 4 : i32
      %eq3A_558 = vector.broadcast %eq3A_557 : i32 to vector<16xi32>
      %eq3A_559 = arith.cmpi eq, %select_n3A_529, %eq3A_558 : vector<16xi32>
      %jit3A_560 = arith.constant 0xFF800000 : f32
      %broadcast_in_dim3A_561 = vector.broadcast %jit3A_560 : f32 to vector<16xf32>
      %select_n3A_562 = arith.select %eq3A_559, %broadcast_in_dim3A_561, %get3A_477 : vector<16xi1>, vector<16xf32>
      %max3A_563 = arith.maximumf %max3A_556, %select_n3A_562 : vector<16xf32>
      %eq3A_564 = arith.constant 5 : i32
      %eq3A_565 = vector.broadcast %eq3A_564 : i32 to vector<16xi32>
      %eq3A_566 = arith.cmpi eq, %select_n3A_529, %eq3A_565 : vector<16xi32>
      %jit3A_567 = arith.constant 0xFF800000 : f32
      %broadcast_in_dim3A_568 = vector.broadcast %jit3A_567 : f32 to vector<16xf32>
      %select_n3A_569 = arith.select %eq3A_566, %broadcast_in_dim3A_568, %get3A_482 : vector<16xi1>, vector<16xf32>
      %max3A_570 = arith.maximumf %max3A_563, %select_n3A_569 : vector<16xf32>
      %eq3A_571 = arith.constant 6 : i32
      %eq3A_572 = vector.broadcast %eq3A_571 : i32 to vector<16xi32>
      %eq3A_573 = arith.cmpi eq, %select_n3A_529, %eq3A_572 : vector<16xi32>
      %jit3A_574 = arith.constant 0xFF800000 : f32
      %broadcast_in_dim3A_575 = vector.broadcast %jit3A_574 : f32 to vector<16xf32>
      %select_n3A_576 = arith.select %eq3A_573, %broadcast_in_dim3A_575, %get3A_487 : vector<16xi1>, vector<16xf32>
      %max3A_577 = arith.maximumf %max3A_570, %select_n3A_576 : vector<16xf32>
      %eq3A_578 = arith.constant 7 : i32
      %eq3A_579 = vector.broadcast %eq3A_578 : i32 to vector<16xi32>
      %eq3A_580 = arith.cmpi eq, %select_n3A_529, %eq3A_579 : vector<16xi32>
      %jit3A_581 = arith.constant 0xFF800000 : f32
      %broadcast_in_dim3A_582 = vector.broadcast %jit3A_581 : f32 to vector<16xf32>
      %select_n3A_583 = arith.select %eq3A_580, %broadcast_in_dim3A_582, %get3A_492 : vector<16xi1>, vector<16xf32>
      %max3A_584 = arith.maximumf %max3A_577, %select_n3A_583 : vector<16xf32>
      %broadcast_in_dim3A_585 = arith.constant 7 : i32
      %broadcast_in_dim3A_586 = vector.broadcast %broadcast_in_dim3A_585 : i32 to vector<16xi32>
      %eq3A_587 = arith.cmpf oeq, %get3A_487, %max3A_584 : vector<16xf32>
      %ne3A_588 = arith.constant 6 : i32
      %ne3A_589 = vector.broadcast %ne3A_588 : i32 to vector<16xi32>
      %ne3A_590 = arith.cmpi ne, %select_n3A_529, %ne3A_589 : vector<16xi32>
      %and3A_591 = arith.andi %eq3A_587, %ne3A_590 : vector<16xi1>
      %jit3A_592 = arith.constant 6 : i32
      %broadcast_in_dim3A_593 = vector.broadcast %jit3A_592 : i32 to vector<16xi32>
      %select_n3A_594 = arith.select %and3A_591, %broadcast_in_dim3A_593, %broadcast_in_dim3A_586 : vector<16xi1>, vector<16xi32>
      %eq3A_595 = arith.cmpf oeq, %get3A_482, %max3A_584 : vector<16xf32>
      %ne3A_596 = arith.constant 5 : i32
      %ne3A_597 = vector.broadcast %ne3A_596 : i32 to vector<16xi32>
      %ne3A_598 = arith.cmpi ne, %select_n3A_529, %ne3A_597 : vector<16xi32>
      %and3A_599 = arith.andi %eq3A_595, %ne3A_598 : vector<16xi1>
      %jit3A_600 = arith.constant 5 : i32
      %broadcast_in_dim3A_601 = vector.broadcast %jit3A_600 : i32 to vector<16xi32>
      %select_n3A_602 = arith.select %and3A_599, %broadcast_in_dim3A_601, %select_n3A_594 : vector<16xi1>, vector<16xi32>
      %eq3A_603 = arith.cmpf oeq, %get3A_477, %max3A_584 : vector<16xf32>
      %ne3A_604 = arith.constant 4 : i32
      %ne3A_605 = vector.broadcast %ne3A_604 : i32 to vector<16xi32>
      %ne3A_606 = arith.cmpi ne, %select_n3A_529, %ne3A_605 : vector<16xi32>
      %and3A_607 = arith.andi %eq3A_603, %ne3A_606 : vector<16xi1>
      %jit3A_608 = arith.constant 4 : i32
      %broadcast_in_dim3A_609 = vector.broadcast %jit3A_608 : i32 to vector<16xi32>
      %select_n3A_610 = arith.select %and3A_607, %broadcast_in_dim3A_609, %select_n3A_602 : vector<16xi1>, vector<16xi32>
      %eq3A_611 = arith.cmpf oeq, %get3A_472, %max3A_584 : vector<16xf32>
      %ne3A_612 = arith.constant 3 : i32
      %ne3A_613 = vector.broadcast %ne3A_612 : i32 to vector<16xi32>
      %ne3A_614 = arith.cmpi ne, %select_n3A_529, %ne3A_613 : vector<16xi32>
      %and3A_615 = arith.andi %eq3A_611, %ne3A_614 : vector<16xi1>
      %jit3A_616 = arith.constant 3 : i32
      %broadcast_in_dim3A_617 = vector.broadcast %jit3A_616 : i32 to vector<16xi32>
      %select_n3A_618 = arith.select %and3A_615, %broadcast_in_dim3A_617, %select_n3A_610 : vector<16xi1>, vector<16xi32>
      %eq3A_619 = arith.cmpf oeq, %get3A_467, %max3A_584 : vector<16xf32>
      %ne3A_620 = arith.constant 2 : i32
      %ne3A_621 = vector.broadcast %ne3A_620 : i32 to vector<16xi32>
      %ne3A_622 = arith.cmpi ne, %select_n3A_529, %ne3A_621 : vector<16xi32>
      %and3A_623 = arith.andi %eq3A_619, %ne3A_622 : vector<16xi1>
      %jit3A_624 = arith.constant 2 : i32
      %broadcast_in_dim3A_625 = vector.broadcast %jit3A_624 : i32 to vector<16xi32>
      %select_n3A_626 = arith.select %and3A_623, %broadcast_in_dim3A_625, %select_n3A_618 : vector<16xi1>, vector<16xi32>
      %eq3A_627 = arith.cmpf oeq, %get3A_462, %max3A_584 : vector<16xf32>
      %ne3A_628 = arith.constant 1 : i32
      %ne3A_629 = vector.broadcast %ne3A_628 : i32 to vector<16xi32>
      %ne3A_630 = arith.cmpi ne, %select_n3A_529, %ne3A_629 : vector<16xi32>
      %and3A_631 = arith.andi %eq3A_627, %ne3A_630 : vector<16xi1>
      %jit3A_632 = arith.constant 1 : i32
      %broadcast_in_dim3A_633 = vector.broadcast %jit3A_632 : i32 to vector<16xi32>
      %select_n3A_634 = arith.select %and3A_631, %broadcast_in_dim3A_633, %select_n3A_626 : vector<16xi1>, vector<16xi32>
      %eq3A_635 = arith.cmpf oeq, %get3A_457, %max3A_584 : vector<16xf32>
      %ne3A_636 = arith.constant 0 : i32
      %ne3A_637 = vector.broadcast %ne3A_636 : i32 to vector<16xi32>
      %ne3A_638 = arith.cmpi ne, %select_n3A_529, %ne3A_637 : vector<16xi32>
      %and3A_639 = arith.andi %eq3A_635, %ne3A_638 : vector<16xi1>
      %jit3A_640 = arith.constant 0 : i32
      %broadcast_in_dim3A_641 = vector.broadcast %jit3A_640 : i32 to vector<16xi32>
      %select_n3A_642 = arith.select %and3A_639, %broadcast_in_dim3A_641, %select_n3A_634 : vector<16xi1>, vector<16xi32>
      %sub3A_643 = arith.subf %max3A_584, %max3A_499 : vector<16xf32>
      %exp3A_644 = math.exp %sub3A_643 : vector<16xf32>
      %add3A_645 = arith.constant 1.000000e+00 : f32
      %add3A_646 = vector.broadcast %add3A_645 : f32 to vector<16xf32>
      %add3A_647 = arith.addf %add3A_646, %exp3A_644 : vector<16xf32>
      %swap3A_648 = arith.constant 0 : i32
      %swap3A_649 = arith.index_cast %swap3A_648 : i32 to index
      %swap3A_650 = arith.index_cast %mul3A_452 : i32 to index
      %swap3A_651 = tpu.vector_load %arg6[%swap3A_649, %swap3A_650] {strides = array<i32>} : memref<2x1024xi32, #tpu.memory_space<vmem>>, vector<1x16xi32>,
      %swap3A_652 = vector.shape_cast %swap3A_651 : vector<1x16xi32> to vector<16xi32>
      %swap3A_653 = vector.shape_cast %select_n3A_529 : vector<16xi32> to vector<1x16xi32>
      tpu.vector_store %arg6[%swap3A_649, %swap3A_650], %swap3A_653 {strides = array<i32>} : memref<2x1024xi32, #tpu.memory_space<vmem>>, vector<1x16xi32>,
      %swap3A_654 = arith.constant 1 : i32
      %swap3A_655 = arith.index_cast %swap3A_654 : i32 to index
      %swap3A_656 = arith.index_cast %mul3A_452 : i32 to index
      %swap3A_657 = tpu.vector_load %arg6[%swap3A_655, %swap3A_656] {strides = array<i32>} : memref<2x1024xi32, #tpu.memory_space<vmem>>, vector<1x16xi32>,
      %swap3A_658 = vector.shape_cast %swap3A_657 : vector<1x16xi32> to vector<16xi32>
      %swap3A_659 = vector.shape_cast %select_n3A_642 : vector<16xi32> to vector<1x16xi32>
      tpu.vector_store %arg6[%swap3A_655, %swap3A_656], %swap3A_659 {strides = array<i32>} : memref<2x1024xi32, #tpu.memory_space<vmem>>, vector<1x16xi32>,
      %div3A_660 = arith.constant 1.000000e+00 : f32
      %div3A_661 = vector.broadcast %div3A_660 : f32 to vector<16xf32>
      %div3A_662 = arith.divf %div3A_661, %add3A_647 : vector<16xf32>
      %swap3A_663 = arith.constant 0 : i32
      %swap3A_664 = arith.index_cast %swap3A_663 : i32 to index
      %swap3A_665 = arith.index_cast %mul3A_452 : i32 to index
      %swap3A_666 = tpu.vector_load %arg7[%swap3A_664, %swap3A_665] {strides = array<i32>} : memref<2x1024xf32, #tpu.memory_space<vmem>>, vector<1x16xf32>,
      %swap3A_667 = vector.shape_cast %swap3A_666 : vector<1x16xf32> to vector<16xf32>
      %swap3A_668 = vector.shape_cast %div3A_662 : vector<16xf32> to vector<1x16xf32>
      tpu.vector_store %arg7[%swap3A_664, %swap3A_665], %swap3A_668 {strides = array<i32>} : memref<2x1024xf32, #tpu.memory_space<vmem>>, vector<1x16xf32>,
      %div3A_669 = arith.divf %exp3A_644, %add3A_647 : vector<16xf32>
      %swap3A_670 = arith.constant 1 : i32
      %swap3A_671 = arith.index_cast %swap3A_670 : i32 to index
      %swap3A_672 = arith.index_cast %mul3A_452 : i32 to index
      %swap3A_673 = tpu.vector_load %arg7[%swap3A_671, %swap3A_672] {strides = array<i32>} : memref<2x1024xf32, #tpu.memory_space<vmem>>, vector<1x16xf32>,
      %swap3A_674 = vector.shape_cast %swap3A_673 : vector<1x16xf32> to vector<16xf32>
      %swap3A_675 = vector.shape_cast %div3A_669 : vector<16xf32> to vector<1x16xf32>
      tpu.vector_store %arg7[%swap3A_671, %swap3A_672], %swap3A_675 {strides = array<i32>} : memref<2x1024xf32, #tpu.memory_space<vmem>>, vector<1x16xf32>,
      %scan3A_676 = arith.constant 3 : i32
      %scan3A_677 = arith.addi %scan3A_8, %scan3A_676 : i32
      %mul3A_678 = arith.constant 16 : i32
      %mul3A_679 = arith.muli %scan3A_677, %mul3A_678 : i32
      %get3A_680 = arith.constant 0 : i32
      %get3A_681 = arith.index_cast %get3A_680 : i32 to index
      %get3A_682 = arith.index_cast %mul3A_679 : i32 to index
      %get3A_683 = tpu.vector_load %arg5[%get3A_681, %get3A_682] {strides = array<i32>} : memref<8x1024xf32, #tpu.memory_space<vmem>>, vector<1x16xf32>,
      %get3A_684 = vector.shape_cast %get3A_683 : vector<1x16xf32> to vector<16xf32>
      %get3A_685 = arith.constant 1 : i32
      %get3A_686 = arith.index_cast %get3A_685 : i32 to index
      %get3A_687 = arith.index_cast %mul3A_679 : i32 to index
      %get3A_688 = tpu.vector_load %arg5[%get3A_686, %get3A_687] {strides = array<i32>} : memref<8x1024xf32, #tpu.memory_space<vmem>>, vector<1x16xf32>,
      %get3A_689 = vector.shape_cast %get3A_688 : vector<1x16xf32> to vector<16xf32>
      %get3A_690 = arith.constant 2 : i32
      %get3A_691 = arith.index_cast %get3A_690 : i32 to index
      %get3A_692 = arith.index_cast %mul3A_679 : i32 to index
      %get3A_693 = tpu.vector_load %arg5[%get3A_691, %get3A_692] {strides = array<i32>} : memref<8x1024xf32, #tpu.memory_space<vmem>>, vector<1x16xf32>,
      %get3A_694 = vector.shape_cast %get3A_693 : vector<1x16xf32> to vector<16xf32>
      %get3A_695 = arith.constant 3 : i32
      %get3A_696 = arith.index_cast %get3A_695 : i32 to index
      %get3A_697 = arith.index_cast %mul3A_679 : i32 to index
      %get3A_698 = tpu.vector_load %arg5[%get3A_696, %get3A_697] {strides = array<i32>} : memref<8x1024xf32, #tpu.memory_space<vmem>>, vector<1x16xf32>,
      %get3A_699 = vector.shape_cast %get3A_698 : vector<1x16xf32> to vector<16xf32>
      %get3A_700 = arith.constant 4 : i32
      %get3A_701 = arith.index_cast %get3A_700 : i32 to index
      %get3A_702 = arith.index_cast %mul3A_679 : i32 to index
      %get3A_703 = tpu.vector_load %arg5[%get3A_701, %get3A_702] {strides = array<i32>} : memref<8x1024xf32, #tpu.memory_space<vmem>>, vector<1x16xf32>,
      %get3A_704 = vector.shape_cast %get3A_703 : vector<1x16xf32> to vector<16xf32>
      %get3A_705 = arith.constant 5 : i32
      %get3A_706 = arith.index_cast %get3A_705 : i32 to index
      %get3A_707 = arith.index_cast %mul3A_679 : i32 to index
      %get3A_708 = tpu.vector_load %arg5[%get3A_706, %get3A_707] {strides = array<i32>} : memref<8x1024xf32, #tpu.memory_space<vmem>>, vector<1x16xf32>,
      %get3A_709 = vector.shape_cast %get3A_708 : vector<1x16xf32> to vector<16xf32>
      %get3A_710 = arith.constant 6 : i32
      %get3A_711 = arith.index_cast %get3A_710 : i32 to index
      %get3A_712 = arith.index_cast %mul3A_679 : i32 to index
      %get3A_713 = tpu.vector_load %arg5[%get3A_711, %get3A_712] {strides = array<i32>} : memref<8x1024xf32, #tpu.memory_space<vmem>>, vector<1x16xf32>,
      %get3A_714 = vector.shape_cast %get3A_713 : vector<1x16xf32> to vector<16xf32>
      %get3A_715 = arith.constant 7 : i32
      %get3A_716 = arith.index_cast %get3A_715 : i32 to index
      %get3A_717 = arith.index_cast %mul3A_679 : i32 to index
      %get3A_718 = tpu.vector_load %arg5[%get3A_716, %get3A_717] {strides = array<i32>} : memref<8x1024xf32, #tpu.memory_space<vmem>>, vector<1x16xf32>,
      %get3A_719 = vector.shape_cast %get3A_718 : vector<1x16xf32> to vector<16xf32>
      %max3A_720 = arith.maximumf %get3A_684, %get3A_689 : vector<16xf32>
      %max3A_721 = arith.maximumf %max3A_720, %get3A_694 : vector<16xf32>
      %max3A_722 = arith.maximumf %max3A_721, %get3A_699 : vector<16xf32>
      %max3A_723 = arith.maximumf %max3A_722, %get3A_704 : vector<16xf32>
      %max3A_724 = arith.maximumf %max3A_723, %get3A_709 : vector<16xf32>
      %max3A_725 = arith.maximumf %max3A_724, %get3A_714 : vector<16xf32>
      %max3A_726 = arith.maximumf %max3A_725, %get3A_719 : vector<16xf32>
      %broadcast_in_dim3A_727 = arith.constant 7 : i32
      %broadcast_in_dim3A_728 = vector.broadcast %broadcast_in_dim3A_727 : i32 to vector<16xi32>
      %eq3A_729 = arith.cmpf oeq, %get3A_714, %max3A_726 : vector<16xf32>
      %jit3A_730 = arith.constant 6 : i32
      %broadcast_in_dim3A_731 = vector.broadcast %jit3A_730 : i32 to vector<16xi32>
      %select_n3A_732 = arith.select %eq3A_729, %broadcast_in_dim3A_731, %broadcast_in_dim3A_728 : vector<16xi1>, vector<16xi32>
      %eq3A_733 = arith.cmpf oeq, %get3A_709, %max3A_726 : vector<16xf32>
      %jit3A_734 = arith.constant 5 : i32
      %broadcast_in_dim3A_735 = vector.broadcast %jit3A_734 : i32 to vector<16xi32>
      %select_n3A_736 = arith.select %eq3A_733, %broadcast_in_dim3A_735, %select_n3A_732 : vector<16xi1>, vector<16xi32>
      %eq3A_737 = arith.cmpf oeq, %get3A_704, %max3A_726 : vector<16xf32>
      %jit3A_738 = arith.constant 4 : i32
      %broadcast_in_dim3A_739 = vector.broadcast %jit3A_738 : i32 to vector<16xi32>
      %select_n3A_740 = arith.select %eq3A_737, %broadcast_in_dim3A_739, %select_n3A_736 : vector<16xi1>, vector<16xi32>
      %eq3A_741 = arith.cmpf oeq, %get3A_699, %max3A_726 : vector<16xf32>
      %jit3A_742 = arith.constant 3 : i32
      %broadcast_in_dim3A_743 = vector.broadcast %jit3A_742 : i32 to vector<16xi32>
      %select_n3A_744 = arith.select %eq3A_741, %broadcast_in_dim3A_743, %select_n3A_740 : vector<16xi1>, vector<16xi32>
      %eq3A_745 = arith.cmpf oeq, %get3A_694, %max3A_726 : vector<16xf32>
      %jit3A_746 = arith.constant 2 : i32
      %broadcast_in_dim3A_747 = vector.broadcast %jit3A_746 : i32 to vector<16xi32>
      %select_n3A_748 = arith.select %eq3A_745, %broadcast_in_dim3A_747, %select_n3A_744 : vector<16xi1>, vector<16xi32>
      %eq3A_749 = arith.cmpf oeq, %get3A_689, %max3A_726 : vector<16xf32>
      %jit3A_750 = arith.constant 1 : i32
      %broadcast_in_dim3A_751 = vector.broadcast %jit3A_750 : i32 to vector<16xi32>
      %select_n3A_752 = arith.select %eq3A_749, %broadcast_in_dim3A_751, %select_n3A_748 : vector<16xi1>, vector<16xi32>
      %eq3A_753 = arith.cmpf oeq, %get3A_684, %max3A_726 : vector<16xf32>
      %jit3A_754 = arith.constant 0 : i32
      %broadcast_in_dim3A_755 = vector.broadcast %jit3A_754 : i32 to vector<16xi32>
      %select_n3A_756 = arith.select %eq3A_753, %broadcast_in_dim3A_755, %select_n3A_752 : vector<16xi1>, vector<16xi32>
      %eq3A_757 = arith.constant 0 : i32
      %eq3A_758 = vector.broadcast %eq3A_757 : i32 to vector<16xi32>
      %eq3A_759 = arith.cmpi eq, %select_n3A_756, %eq3A_758 : vector<16xi32>
      %jit3A_760 = arith.constant 0xFF800000 : f32
      %broadcast_in_dim3A_761 = vector.broadcast %jit3A_760 : f32 to vector<16xf32>
      %select_n3A_762 = arith.select %eq3A_759, %broadcast_in_dim3A_761, %get3A_684 : vector<16xi1>, vector<16xf32>
      %eq3A_763 = arith.constant 1 : i32
      %eq3A_764 = vector.broadcast %eq3A_763 : i32 to vector<16xi32>
      %eq3A_765 = arith.cmpi eq, %select_n3A_756, %eq3A_764 : vector<16xi32>
      %jit3A_766 = arith.constant 0xFF800000 : f32
      %broadcast_in_dim3A_767 = vector.broadcast %jit3A_766 : f32 to vector<16xf32>
      %select_n3A_768 = arith.select %eq3A_765, %broadcast_in_dim3A_767, %get3A_689 : vector<16xi1>, vector<16xf32>
      %max3A_769 = arith.maximumf %select_n3A_762, %select_n3A_768 : vector<16xf32>
      %eq3A_770 = arith.constant 2 : i32
      %eq3A_771 = vector.broadcast %eq3A_770 : i32 to vector<16xi32>
      %eq3A_772 = arith.cmpi eq, %select_n3A_756, %eq3A_771 : vector<16xi32>
      %jit3A_773 = arith.constant 0xFF800000 : f32
      %broadcast_in_dim3A_774 = vector.broadcast %jit3A_773 : f32 to vector<16xf32>
      %select_n3A_775 = arith.select %eq3A_772, %broadcast_in_dim3A_774, %get3A_694 : vector<16xi1>, vector<16xf32>
      %max3A_776 = arith.maximumf %max3A_769, %select_n3A_775 : vector<16xf32>
      %eq3A_777 = arith.constant 3 : i32
      %eq3A_778 = vector.broadcast %eq3A_777 : i32 to vector<16xi32>
      %eq3A_779 = arith.cmpi eq, %select_n3A_756, %eq3A_778 : vector<16xi32>
      %jit3A_780 = arith.constant 0xFF800000 : f32
      %broadcast_in_dim3A_781 = vector.broadcast %jit3A_780 : f32 to vector<16xf32>
      %select_n3A_782 = arith.select %eq3A_779, %broadcast_in_dim3A_781, %get3A_699 : vector<16xi1>, vector<16xf32>
      %max3A_783 = arith.maximumf %max3A_776, %select_n3A_782 : vector<16xf32>
      %eq3A_784 = arith.constant 4 : i32
      %eq3A_785 = vector.broadcast %eq3A_784 : i32 to vector<16xi32>
      %eq3A_786 = arith.cmpi eq, %select_n3A_756, %eq3A_785 : vector<16xi32>
      %jit3A_787 = arith.constant 0xFF800000 : f32
      %broadcast_in_dim3A_788 = vector.broadcast %jit3A_787 : f32 to vector<16xf32>
      %select_n3A_789 = arith.select %eq3A_786, %broadcast_in_dim3A_788, %get3A_704 : vector<16xi1>, vector<16xf32>
      %max3A_790 = arith.maximumf %max3A_783, %select_n3A_789 : vector<16xf32>
      %eq3A_791 = arith.constant 5 : i32
      %eq3A_792 = vector.broadcast %eq3A_791 : i32 to vector<16xi32>
      %eq3A_793 = arith.cmpi eq, %select_n3A_756, %eq3A_792 : vector<16xi32>
      %jit3A_794 = arith.constant 0xFF800000 : f32
      %broadcast_in_dim3A_795 = vector.broadcast %jit3A_794 : f32 to vector<16xf32>
      %select_n3A_796 = arith.select %eq3A_793, %broadcast_in_dim3A_795, %get3A_709 : vector<16xi1>, vector<16xf32>
      %max3A_797 = arith.maximumf %max3A_790, %select_n3A_796 : vector<16xf32>
      %eq3A_798 = arith.constant 6 : i32
      %eq3A_799 = vector.broadcast %eq3A_798 : i32 to vector<16xi32>
      %eq3A_800 = arith.cmpi eq, %select_n3A_756, %eq3A_799 : vector<16xi32>
      %jit3A_801 = arith.constant 0xFF800000 : f32
      %broadcast_in_dim3A_802 = vector.broadcast %jit3A_801 : f32 to vector<16xf32>
      %select_n3A_803 = arith.select %eq3A_800, %broadcast_in_dim3A_802, %get3A_714 : vector<16xi1>, vector<16xf32>
      %max3A_804 = arith.maximumf %max3A_797, %select_n3A_803 : vector<16xf32>
      %eq3A_805 = arith.constant 7 : i32
      %eq3A_806 = vector.broadcast %eq3A_805 : i32 to vector<16xi32>
      %eq3A_807 = arith.cmpi eq, %select_n3A_756, %eq3A_806 : vector<16xi32>
      %jit3A_808 = arith.constant 0xFF800000 : f32
      %broadcast_in_dim3A_809 = vector.broadcast %jit3A_808 : f32 to vector<16xf32>
      %select_n3A_810 = arith.select %eq3A_807, %broadcast_in_dim3A_809, %get3A_719 : vector<16xi1>, vector<16xf32>
      %max3A_811 = arith.maximumf %max3A_804, %select_n3A_810 : vector<16xf32>
      %broadcast_in_dim3A_812 = arith.constant 7 : i32
      %broadcast_in_dim3A_813 = vector.broadcast %broadcast_in_dim3A_812 : i32 to vector<16xi32>
      %eq3A_814 = arith.cmpf oeq, %get3A_714, %max3A_811 : vector<16xf32>
      %ne3A_815 = arith.constant 6 : i32
      %ne3A_816 = vector.broadcast %ne3A_815 : i32 to vector<16xi32>
      %ne3A_817 = arith.cmpi ne, %select_n3A_756, %ne3A_816 : vector<16xi32>
      %and3A_818 = arith.andi %eq3A_814, %ne3A_817 : vector<16xi1>
      %jit3A_819 = arith.constant 6 : i32
      %broadcast_in_dim3A_820 = vector.broadcast %jit3A_819 : i32 to vector<16xi32>
      %select_n3A_821 = arith.select %and3A_818, %broadcast_in_dim3A_820, %broadcast_in_dim3A_813 : vector<16xi1>, vector<16xi32>
      %eq3A_822 = arith.cmpf oeq, %get3A_709, %max3A_811 : vector<16xf32>
      %ne3A_823 = arith.constant 5 : i32
      %ne3A_824 = vector.broadcast %ne3A_823 : i32 to vector<16xi32>
      %ne3A_825 = arith.cmpi ne, %select_n3A_756, %ne3A_824 : vector<16xi32>
      %and3A_826 = arith.andi %eq3A_822, %ne3A_825 : vector<16xi1>
      %jit3A_827 = arith.constant 5 : i32
      %broadcast_in_dim3A_828 = vector.broadcast %jit3A_827 : i32 to vector<16xi32>
      %select_n3A_829 = arith.select %and3A_826, %broadcast_in_dim3A_828, %select_n3A_821 : vector<16xi1>, vector<16xi32>
      %eq3A_830 = arith.cmpf oeq, %get3A_704, %max3A_811 : vector<16xf32>
      %ne3A_831 = arith.constant 4 : i32
      %ne3A_832 = vector.broadcast %ne3A_831 : i32 to vector<16xi32>
      %ne3A_833 = arith.cmpi ne, %select_n3A_756, %ne3A_832 : vector<16xi32>
      %and3A_834 = arith.andi %eq3A_830, %ne3A_833 : vector<16xi1>
      %jit3A_835 = arith.constant 4 : i32
      %broadcast_in_dim3A_836 = vector.broadcast %jit3A_835 : i32 to vector<16xi32>
      %select_n3A_837 = arith.select %and3A_834, %broadcast_in_dim3A_836, %select_n3A_829 : vector<16xi1>, vector<16xi32>
      %eq3A_838 = arith.cmpf oeq, %get3A_699, %max3A_811 : vector<16xf32>
      %ne3A_839 = arith.constant 3 : i32
      %ne3A_840 = vector.broadcast %ne3A_839 : i32 to vector<16xi32>
      %ne3A_841 = arith.cmpi ne, %select_n3A_756, %ne3A_840 : vector<16xi32>
      %and3A_842 = arith.andi %eq3A_838, %ne3A_841 : vector<16xi1>
      %jit3A_843 = arith.constant 3 : i32
      %broadcast_in_dim3A_844 = vector.broadcast %jit3A_843 : i32 to vector<16xi32>
      %select_n3A_845 = arith.select %and3A_842, %broadcast_in_dim3A_844, %select_n3A_837 : vector<16xi1>, vector<16xi32>
      %eq3A_846 = arith.cmpf oeq, %get3A_694, %max3A_811 : vector<16xf32>
      %ne3A_847 = arith.constant 2 : i32
      %ne3A_848 = vector.broadcast %ne3A_847 : i32 to vector<16xi32>
      %ne3A_849 = arith.cmpi ne, %select_n3A_756, %ne3A_848 : vector<16xi32>
      %and3A_850 = arith.andi %eq3A_846, %ne3A_849 : vector<16xi1>
      %jit3A_851 = arith.constant 2 : i32
      %broadcast_in_dim3A_852 = vector.broadcast %jit3A_851 : i32 to vector<16xi32>
      %select_n3A_853 = arith.select %and3A_850, %broadcast_in_dim3A_852, %select_n3A_845 : vector<16xi1>, vector<16xi32>
      %eq3A_854 = arith.cmpf oeq, %get3A_689, %max3A_811 : vector<16xf32>
      %ne3A_855 = arith.constant 1 : i32
      %ne3A_856 = vector.broadcast %ne3A_855 : i32 to vector<16xi32>
      %ne3A_857 = arith.cmpi ne, %select_n3A_756, %ne3A_856 : vector<16xi32>
      %and3A_858 = arith.andi %eq3A_854, %ne3A_857 : vector<16xi1>
      %jit3A_859 = arith.constant 1 : i32
      %broadcast_in_dim3A_860 = vector.broadcast %jit3A_859 : i32 to vector<16xi32>
      %select_n3A_861 = arith.select %and3A_858, %broadcast_in_dim3A_860, %select_n3A_853 : vector<16xi1>, vector<16xi32>
      %eq3A_862 = arith.cmpf oeq, %get3A_684, %max3A_811 : vector<16xf32>
      %ne3A_863 = arith.constant 0 : i32
      %ne3A_864 = vector.broadcast %ne3A_863 : i32 to vector<16xi32>
      %ne3A_865 = arith.cmpi ne, %select_n3A_756, %ne3A_864 : vector<16xi32>
      %and3A_866 = arith.andi %eq3A_862, %ne3A_865 : vector<16xi1>
      %jit3A_867 = arith.constant 0 : i32
      %broadcast_in_dim3A_868 = vector.broadcast %jit3A_867 : i32 to vector<16xi32>
      %select_n3A_869 = arith.select %and3A_866, %broadcast_in_dim3A_868, %select_n3A_861 : vector<16xi1>, vector<16xi32>
      %sub3A_870 = arith.subf %max3A_811, %max3A_726 : vector<16xf32>
      %exp3A_871 = math.exp %sub3A_870 : vector<16xf32>
      %add3A_872 = arith.constant 1.000000e+00 : f32
      %add3A_873 = vector.broadcast %add3A_872 : f32 to vector<16xf32>
      %add3A_874 = arith.addf %add3A_873, %exp3A_871 : vector<16xf32>
      %swap3A_875 = arith.constant 0 : i32
      %swap3A_876 = arith.index_cast %swap3A_875 : i32 to index
      %swap3A_877 = arith.index_cast %mul3A_679 : i32 to index
      %swap3A_878 = tpu.vector_load %arg6[%swap3A_876, %swap3A_877] {strides = array<i32>} : memref<2x1024xi32, #tpu.memory_space<vmem>>, vector<1x16xi32>,
      %swap3A_879 = vector.shape_cast %swap3A_878 : vector<1x16xi32> to vector<16xi32>
      %swap3A_880 = vector.shape_cast %select_n3A_756 : vector<16xi32> to vector<1x16xi32>
      tpu.vector_store %arg6[%swap3A_876, %swap3A_877], %swap3A_880 {strides = array<i32>} : memref<2x1024xi32, #tpu.memory_space<vmem>>, vector<1x16xi32>,
      %swap3A_881 = arith.constant 1 : i32
      %swap3A_882 = arith.index_cast %swap3A_881 : i32 to index
      %swap3A_883 = arith.index_cast %mul3A_679 : i32 to index
      %swap3A_884 = tpu.vector_load %arg6[%swap3A_882, %swap3A_883] {strides = array<i32>} : memref<2x1024xi32, #tpu.memory_space<vmem>>, vector<1x16xi32>,
      %swap3A_885 = vector.shape_cast %swap3A_884 : vector<1x16xi32> to vector<16xi32>
      %swap3A_886 = vector.shape_cast %select_n3A_869 : vector<16xi32> to vector<1x16xi32>
      tpu.vector_store %arg6[%swap3A_882, %swap3A_883], %swap3A_886 {strides = array<i32>} : memref<2x1024xi32, #tpu.memory_space<vmem>>, vector<1x16xi32>,
      %div3A_887 = arith.constant 1.000000e+00 : f32
      %div3A_888 = vector.broadcast %div3A_887 : f32 to vector<16xf32>
      %div3A_889 = arith.divf %div3A_888, %add3A_874 : vector<16xf32>
      %swap3A_890 = arith.constant 0 : i32
      %swap3A_891 = arith.index_cast %swap3A_890 : i32 to index
      %swap3A_892 = arith.index_cast %mul3A_679 : i32 to index
      %swap3A_893 = tpu.vector_load %arg7[%swap3A_891, %swap3A_892] {strides = array<i32>} : memref<2x1024xf32, #tpu.memory_space<vmem>>, vector<1x16xf32>,
      %swap3A_894 = vector.shape_cast %swap3A_893 : vector<1x16xf32> to vector<16xf32>
      %swap3A_895 = vector.shape_cast %div3A_889 : vector<16xf32> to vector<1x16xf32>
      tpu.vector_store %arg7[%swap3A_891, %swap3A_892], %swap3A_895 {strides = array<i32>} : memref<2x1024xf32, #tpu.memory_space<vmem>>, vector<1x16xf32>,
      %div3A_896 = arith.divf %exp3A_871, %add3A_874 : vector<16xf32>
      %swap3A_897 = arith.constant 1 : i32
      %swap3A_898 = arith.index_cast %swap3A_897 : i32 to index
      %swap3A_899 = arith.index_cast %mul3A_679 : i32 to index
      %swap3A_900 = tpu.vector_load %arg7[%swap3A_898, %swap3A_899] {strides = array<i32>} : memref<2x1024xf32, #tpu.memory_space<vmem>>, vector<1x16xf32>,
      %swap3A_901 = vector.shape_cast %swap3A_900 : vector<1x16xf32> to vector<16xf32>
      %swap3A_902 = vector.shape_cast %div3A_896 : vector<16xf32> to vector<1x16xf32>
      tpu.vector_store %arg7[%swap3A_898, %swap3A_899], %swap3A_902 {strides = array<i32>} : memref<2x1024xf32, #tpu.memory_space<vmem>>, vector<1x16xf32>,
    }
    %scan3A_7 = arith.constant 64 : i32
    "tpu.region"() ({
      %run_scoped3A = tpu.sem_alloc : memref<!tpu.dma_semaphore, #tpu.memory_space<semaphore_mem>>
      %dma_start3A = arith.constant 0 : i32
      %dma_start3A_8 = tpu.memref_slice %arg3[%dma_start3A, %mul3A_2] : memref<2x32768xi32, #tpu.memory_space<hbm>> -> memref<2x1024xi32, #tpu.memory_space<hbm>>
      %dma_start3A_9 = arith.constant 0 : i32
      %dma_start3A_10 = tpu.memref_slice %arg3[%dma_start3A_9, %mul3A_2] : memref<2x32768xi32, #tpu.memory_space<hbm>> -> memref<2x1024xi32, #tpu.memory_space<hbm>>
      tpu.enqueue_dma source(%arg6 : memref<2x1024xi32, #tpu.memory_space<vmem>>) target(%dma_start3A_10 : memref<2x1024xi32, #tpu.memory_space<hbm>>) target_semaphore(%run_scoped3A : memref<!tpu.dma_semaphore, #tpu.memory_space<semaphore_mem>>)
      %dma_wait3A = arith.constant 0 : i32
      %dma_wait3A_11 = tpu.memref_slice %arg3[%dma_wait3A, %mul3A_2] : memref<2x32768xi32, #tpu.memory_space<hbm>> -> memref<2x1024xi32, #tpu.memory_space<hbm>>
      %dma_wait3A_12 = arith.constant 0 : i32
      %dma_wait3A_13 = tpu.memref_slice %arg3[%dma_wait3A_12, %mul3A_2] : memref<2x32768xi32, #tpu.memory_space<hbm>> -> memref<2x1024xi32, #tpu.memory_space<hbm>>
      tpu.wait_dma2 semaphore(%run_scoped3A : memref<!tpu.dma_semaphore, #tpu.memory_space<semaphore_mem>>) src(%arg6 : memref<2x1024xi32, #tpu.memory_space<vmem>>) dst(%dma_wait3A_13 : memref<2x1024xi32, #tpu.memory_space<hbm>>)
      tpu.yield
    }) : () -> ()
    "tpu.region"() ({
      %run_scoped3A = tpu.sem_alloc : memref<!tpu.dma_semaphore, #tpu.memory_space<semaphore_mem>>
      %dma_start3A = arith.constant 0 : i32
      %dma_start3A_8 = tpu.memref_slice %arg4[%dma_start3A, %mul3A_2] : memref<2x32768xf32, #tpu.memory_space<hbm>> -> memref<2x1024xf32, #tpu.memory_space<hbm>>
      %dma_start3A_9 = arith.constant 0 : i32
      %dma_start3A_10 = tpu.memref_slice %arg4[%dma_start3A_9, %mul3A_2] : memref<2x32768xf32, #tpu.memory_space<hbm>> -> memref<2x1024xf32, #tpu.memory_space<hbm>>
      tpu.enqueue_dma source(%arg7 : memref<2x1024xf32, #tpu.memory_space<vmem>>) target(%dma_start3A_10 : memref<2x1024xf32, #tpu.memory_space<hbm>>) target_semaphore(%run_scoped3A : memref<!tpu.dma_semaphore, #tpu.memory_space<semaphore_mem>>)
      %dma_wait3A = arith.constant 0 : i32
      %dma_wait3A_11 = tpu.memref_slice %arg4[%dma_wait3A, %mul3A_2] : memref<2x32768xf32, #tpu.memory_space<hbm>> -> memref<2x1024xf32, #tpu.memory_space<hbm>>
      %dma_wait3A_12 = arith.constant 0 : i32
      %dma_wait3A_13 = tpu.memref_slice %arg4[%dma_wait3A_12, %mul3A_2] : memref<2x32768xf32, #tpu.memory_space<hbm>> -> memref<2x1024xf32, #tpu.memory_space<hbm>>
      tpu.wait_dma2 semaphore(%run_scoped3A : memref<!tpu.dma_semaphore, #tpu.memory_space<semaphore_mem>>) src(%arg7 : memref<2x1024xf32, #tpu.memory_space<vmem>>) dst(%dma_wait3A_13 : memref<2x1024xf32, #tpu.memory_space<hbm>>)
      tpu.yield
    }) : () -> ()
    return
  }
}

module attributes {stable_mosaic.version = 14 : i64} {
  func.func @_gate_matmul_kernel(%arg0: i32, %arg1: memref<4096x768xf32, #tpu.memory_space<vmem>>, %arg2: memref<8x768xf32, #tpu.memory_space<vmem>>, %arg3: memref<8x1xf32, #tpu.memory_space<vmem>>, %arg4: memref<8x4096xf32, #tpu.memory_space<vmem>>) attributes {dimension_semantics = [#tpu.dimension_semantics<arbitrary>], iteration_bounds = array<i64: 8>, scalar_prefetch = 0 : i64, scratch_operands = 0 : i64, tpu.core_type = #tpu.core_type<tc>, window_params = [{transform_indices = @transform_0, window_bounds = array<i64: 4096, 768>}, {pipeline_mode = #tpu.pipeline_mode<synchronous>, transform_indices = @transform_1, window_bounds = array<i64: 8, 768>}, {pipeline_mode = #tpu.pipeline_mode<synchronous>, transform_indices = @transform_2, window_bounds = array<i64: 8, 1>}, {transform_indices = @transform_3, window_bounds = array<i64: 8, 4096>}]} {
    %get3A = arith.constant 0 : index
    %get3A_0 = arith.constant 0 : index
    %get3A_1 = vector.load %arg2[%get3A, %get3A_0] : memref<8x768xf32, #tpu.memory_space<vmem>>, vector<8x768xf32>
    %get3A_2 = arith.constant 0 : index
    %get3A_3 = arith.constant 0 : index
    %get3A_4 = vector.load %arg1[%get3A_2, %get3A_3] : memref<4096x768xf32, #tpu.memory_space<vmem>>, vector<4096x768xf32>
    %dot_general3A = arith.constant dense<0.000000e+00> : vector<8x4096xf32>
    %dot_general3A_5 = tpu.matmul %get3A_1, %get3A_4, %dot_general3A {dimension_numbers = #tpu.dot_dimension_numbers<[1], [1], [0], [0], [0, 0, 1, 0], [], []>, transpose_lhs_hint = false} : vector<8x768xf32>, vector<4096x768xf32>, vector<8x4096xf32> -> vector<8x4096xf32>
    %get3A_6 = arith.constant 0 : index
    %get3A_7 = arith.constant 0 : index
    %get3A_8 = vector.load %arg3[%get3A_6, %get3A_7] : memref<8x1xf32, #tpu.memory_space<vmem>>, vector<8x1xf32>
    %add3A = vector.broadcast %get3A_8 : vector<8x1xf32> to vector<8x4096xf32>
    %add3A_9 = arith.addf %dot_general3A_5, %add3A : vector<8x4096xf32>
    %swap3A = arith.constant 0 : index
    %swap3A_10 = arith.constant 0 : index
    %swap3A_11 = vector.load %arg4[%swap3A, %swap3A_10] : memref<8x4096xf32, #tpu.memory_space<vmem>>, vector<8x4096xf32>
    tpu.vector_store %arg4[%swap3A, %swap3A_10], %add3A_9 {strides = array<i32>} : memref<8x4096xf32, #tpu.memory_space<vmem>>, vector<8x4096xf32>,
    return
  }
  func.func @transform_0(%arg0: i32) -> (i32, i32) {
    %c0_i32 = arith.constant 0 : i32
    %c0_i32_0 = arith.constant 0 : i32
    return %arg0, %c0_i32 : i32, i32
  }
  func.func @transform_1(%arg0: i32) -> (i32, i32) {
    %c0_i32 = arith.constant 0 : i32
    %c0_i32_0 = arith.constant 0 : i32
    %c0_i32_1 = arith.constant 0 : i32
    return %c0_i32, %c0_i32_0 : i32, i32
  }
  func.func @transform_2(%arg0: i32) -> (i32, i32) {
    %c0_i32 = arith.constant 0 : i32
    %c0_i32_0 = arith.constant 0 : i32
    %c0_i32_1 = arith.constant 0 : i32
    return %c0_i32, %c0_i32_0 : i32, i32
  }
  func.func @transform_3(%arg0: i32) -> (i32, i32) {
    %c0_i32 = arith.constant 0 : i32
    %c0_i32_0 = arith.constant 0 : i32
    return %c0_i32, %arg0 : i32, i32
  }
}

</mosaic_0001>

<sc_bundles>
// kernel: kernel.4.cloned.1.call-start
scs
__scs_entry_jumppad:
0x0: {  	(pc) =	sbr.rel $0x88, $3  }
0x1: {  	(tag) =	ssettag $0x0;
	lr =	simm.s32 $0x1  }
0x2: {  	[smem:$0x3F9E] =	sst lr;
	_ =	strace $0xD0000000  }
0x3: {  	_ = 	snop  }
0x4: {  	_ = 	snop  }
0x5: {  	_ = 	snop  }
0x6: {  	_ = 	snop  }
0x7: {  	_ = 	snop  }
__scs_overlays_trampoline_lowered:
0x8: {  	[smem:$0x3FAD] =	sst s0  }
0x9: {  	[smem:$0x3FAE] =	sst s1  }
0xa: {  	[smem:$0x3FAF] =	sst s2  }
0xb: {  	[smem:$0x3FB0] =	sst s3  }
0xc: {  	[smem:$0x3FB1] =	sst s4  }
0xd: {  	[smem:$0x3FB2] =	sst s5  }
0xe: {  	[smem:$0x3FB3] =	sst s6  }
0xf: {  	[smem:$0x3FB4] =	sst s7  }
0x10: {  	[smem:$0x3FB5] =	sst s8  }
0x11: {  	[smem:$0x3FB6] =	sst s9;
	s0 =	simm.s32 @!p0 $0x0  }
0x12: {  	s1 =	sld [smem:$0x3F9C];
	s0 =	simm.s32 @p0 $0x1  }
0x13: {  	[smem:$0x3FB7] =	sst s0;
	s0 =	simm.s32 @!p1 $0x0  }
0x14: {  	s2 =	sld [smem:$0x3F9B];
	s0 =	simm.s32 @p1 $0x1  }
0x15: {  	[smem:$0x3FB8] =	sst s0;
	s0 =	simm.s32 @!p2 $0x0  }
0x16: {  	s3 =	sld [smem:$0x3FDB];
	s0 =	simm.s32 @p2 $0x1  }
0x17: {  	s4 =	simm.s32 $0x1BF5;
	[smem:$0x3FBA] =	sst s0  }
0x18: {  	s0 =	sld [smem:$0x3F9D];
	_ =	swait.ge [sflag:s4], $0x0  }
0x19: {  	s7 =	sld [smem:$0x3F9E]  }
0x1a: {  	s8 =	sadd.s32 $0xFFFFE003, lr  }
0x1b: {  	s9 =	sadd.s32 $0xFFFFFEF7, lr;
	s5 =	simm.s32 $0xFFFFFFFF;
	p2 =	slt.u32 s8, $0xFFFFF086  }
0x1c: {  	p1 =	slt.u32 s9, $0xF7A;
	s5 =	simm.s32 @!p2 $0x0  }
0x1d: {  	s5 =	simm.s32 @p1 $0x1;
	p0 =	seq.s32 s7, s2  }
0x1e: {  	s7 =	smul.u32 @!p0 $0xF7A, s2;
	p2 =	seq.s32 @!p0 s5, $0x0  }
0x1f: {  	s9 =	smul.u32 $0xF7A, s1;
	s8 =	simm.s32 @!p0 $0x1BF5;
	p2 =	por !p2, p0  }
0x20: {  	[sflag:s8] =	ssyncset.s32 @!p0 $0xFFFFF086;
	s6 =	sadd.s32 @!p0 s3, s7;
	s7 =	simm.s32 @!p0 $0x108  }
0x21: {  	s3 =	sadd.s32 s3, s9;
	s6 =	sadd.s32 @!p0 $0x88, s6;
	s7 =	simm.s32 @p2 $0x1082  }
0x22: {  	[simem:s7], [sflag:s8] =	dma.local @!p0 [hbm:s6], $0xF7A  }
0x23: {  	s9 =	sor.u32 $0xD0000000, s2;
	s6 =	simm.s32 $0x108;
	_ =	swait.ge @!p0 [sflag:s8], $0x0  }
0x24: {  	s3 =	sadd.s32 $0x88, s3;
	s6 =	simm.s32 @!p1 $0x1082;
	[sflag:s4] =	ssyncset.s32 $0xFFFFF086  }
0x25: {  	[simem:s6], [sflag:s4] =	dma.local [hbm:s3], $0xF7A  }
0x26: {  	[smem:$0x3F9E] =	sst s1;
	(tag) =	ssettag s2;
	_ =	strace s9  }
0x27: {  	s1 =	sld [smem:$0x3FAE]  }
0x28: {  	s2 =	sld [smem:$0x3FAF]  }
0x29: {  	s4 =	sld [smem:$0x3FB1]  }
0x2a: {  	p0 =	seq.s32 s5, $0x0;
	s5 =	sld [smem:$0x3FB2]  }
0x2b: {  	s6 =	sld [smem:$0x3FB3]  }
0x2c: {  	s7 =	sld [smem:$0x3FB4]  }
0x2d: {  	s3 =	simm.s32 $0x108;
	s8 =	sld [smem:$0x3FB5]  }
0x2e: {  	s3 =	simm.s32 @!p0 $0x1082;
	s9 =	sld [smem:$0x3FB6]  }
0x2f: {  	lr =	sadd.s32 s0, s3;
	s0 =	sld [smem:$0x3FAD]  }
0x30: {  	s3 =	sld [smem:$0x3FB0]  }
0x31: {  	[smem:$0x3FB9] =	sst s10  }
0x32: {  	s10 =	sld [smem:$0x3FB7];
	_ =	sdelay $0x3  }
0x33: {  	p0 =	seq.s32 s10, $0x1;
	s10 =	sld [smem:$0x3FB9];
	_ =	sdelay $0x3  }
0x34: {  	[smem:$0x3FB9] =	sst s10  }
0x35: {  	s10 =	sld [smem:$0x3FB8];
	_ =	sdelay $0x3  }
0x36: {  	p1 =	seq.s32 s10, $0x1;
	s10 =	sld [smem:$0x3FB9];
	_ =	sdelay $0x3  }
0x37: {  	[smem:$0x3FB9] =	sst s10  }
0x38: {  	s10 =	sld [smem:$0x3FBA]  }
0x39: {  	_ = 	snop;
	(pc) =	sbr.ind lr, $3  }
0x3a: {  	_ = 	snop  }
0x3b: {  	_ = 	snop  }
0x3c: {  	p2 =	seq.s32 s10, $0x1;
	s10 =	sld [smem:$0x3FB9]  }
0x3d: {  	_ =	shalt  }
0x3e: {  	_ =	shalt  }
0x3f: {  	_ =	shalt  }
0x40: {  	_ =	shalt  }
0x41: {  	_ =	shalt  }
0x42: {  	_ =	shalt  }
0x43: {  	_ =	shalt  }
0x44: {  	_ =	shalt  }
0x45: {  	_ =	shalt  }
0x46: {  	_ =	shalt  }
0x47: {  	_ =	shalt  }
0x48: {  	_ =	shalt  }
0x49: {  	_ =	shalt  }
0x4a: {  	_ =	shalt  }
0x4b: {  	_ =	shalt  }
0x4c: {  	_ =	shalt  }
0x4d: {  	_ =	shalt  }
0x4e: {  	_ =	shalt  }
0x4f: {  	_ =	shalt  }
0x50: {  	_ =	shalt  }
0x51: {  	_ =	shalt  }
0x52: {  	_ =	shalt  }
0x53: {  	_ =	shalt  }
0x54: {  	_ =	shalt  }
0x55: {  	_ =	shalt  }
0x56: {  	_ =	shalt  }
0x57: {  	_ =	shalt  }
0x58: {  	_ =	shalt  }
0x59: {  	_ =	shalt  }
0x5a: {  	_ =	shalt  }
0x5b: {  	_ =	shalt  }
0x5c: {  	_ =	shalt  }
0x5d: {  	_ =	shalt  }
0x5e: {  	_ =	shalt  }
0x5f: {  	_ =	shalt  }
0x60: {  	_ =	shalt  }
0x61: {  	_ =	shalt  }
0x62: {  	_ =	shalt  }
0x63: {  	_ =	shalt  }
0x64: {  	_ =	shalt  }
0x65: {  	_ =	shalt  }
0x66: {  	_ =	shalt  }
0x67: {  	_ =	shalt  }
0x68: {  	_ =	shalt  }
0x69: {  	_ =	shalt  }
0x6a: {  	_ =	shalt  }
0x6b: {  	_ =	shalt  }
0x6c: {  	_ =	shalt  }
0x6d: {  	_ =	shalt  }
0x6e: {  	_ =	shalt  }
0x6f: {  	_ =	shalt  }
0x70: {  	_ =	shalt  }
0x71: {  	_ =	shalt  }
0x72: {  	_ =	shalt  }
0x73: {  	_ =	shalt  }
0x74: {  	_ =	shalt  }
0x75: {  	_ =	shalt  }
0x76: {  	_ =	shalt  }
0x77: {  	_ =	shalt  }
0x78: {  	_ =	shalt  }
0x79: {  	_ =	shalt  }
0x7a: {  	_ =	shalt  }
0x7b: {  	_ =	shalt  }
0x7c: {  	_ =	shalt  }
0x7d: {  	_ =	shalt  }
0x7e: {  	_ =	shalt  }
0x7f: {  	_ =	shalt  }
0x80: {  	_ =	shalt  }
0x81: {  	_ =	shalt  }
0x82: {  	_ =	shalt  }
0x83: {  	_ =	shalt  }
0x84: {  	_ =	shalt  }
0x85: {  	_ =	shalt  }
0x86: {  	_ =	shalt  }
0x87: {  	_ =	shalt  }
.Lfunc_end0:
.L_simem_size_0:
called_computation_lowered:
.L_overlay_start_0:
0x88: {  	s2 =	sld [smem:$0x3FD9]  }
0x89: {  	s3 =	sld [smem:$0x3FFE];
	_ =	sdelay $0x1  }
0x8a: {  	s1 =	srdreg.scid  }
0x8b: {  	s0 =	sand.u32 $0x1, s1  }
0x8c: {  	s15 =	sshll.u32 s0, $0xA;
	s2 =	sadd.s32 s3, s2  }
0x8d: {  	s2 =	sadd.s32 s2, s15  }
0x8e: {  	[smem:$0x3FC5] =	sst s2  }
0x8f: {  	_ = 	snop  }
0x90: {  	s2 =	sld [smem:$0x3FD0];
	_ =	sdelay $0x2  }
0x91: {  	s16 =	simm.s32 $0xA;
	s4 =	simm.s32 $0x10  }
0x92: {  	[smem:s4], [sflag:s16] =	dma.local [hbm:s2], $0x1  }
0x93: {  	_ =	swait.eq [sflag:s16], $0x1  }
0x94: {  	s17 =	sld [smem:$0x10];
	[sflag:s16] =	ssyncset.done $0x0  }
0x95: {  	s18 =	sld [smem:$0x11];
	[sflag:s16] =	ssyncadd.s32 $0xFFFFFFFF  }
0x96: {  	s19 =	sld [smem:$0x12];
	(tm) =	ssettm $0x1  }
0x97: {  	s5 =	sld [smem:$0x3FFB];
	_ =	sdelay $0x3  }
0x98: {  	_ =	strace s5  }
0x99: {  	s5 =	sld [smem:$0x3FFC];
	_ =	sdelay $0x3  }
0x9a: {  	_ =	strace s5  }
0x9b: {  	s5 =	sld [smem:$0x3FFD];
	_ =	sdelay $0x3  }
0x9c: {  	_ =	strace s5  }
0x9d: {  	_ =	strace $0x8FFFFFFF  }
0x9e: {  	s20 =	sld [smem:$0x3FDB];
	_ =	sdelay $0x1  }
0x9f: {  	s6 =	simm.s32 $_scs_section_size  }
0xa0: {  	s7 =	simm.s32 $_size__tile_overlayer_lowered;
	s8 =	simm.s32 $_tile_overlayer_lowered  }
0xa1: {  	s23 =	simm.s32 $0x1BFF;
	s22 =	sshll.u32 s8, $0x1;
	s5 =	sadd.s32 s6, s20  }
0xa2: {  	s9 =	simm.s32 $0x0;
	s21 =	sshll.u32 s7, $0x1;
	s7 =	sadd.s32 s22, s5  }
0xa3: {  	[timem:s9], [sflag:s23] =	dma.local [hbm:s7], s21  }
0xa4: {  	_ =	swait.ge [sflag:s23], s21  }
0xa5: {  	s6 =	ssub.s32 $0x0, s21;
	[sflag:s23] =	ssyncset.done $0x0  }
0xa6: {  	[sflag:s23] =	ssyncadd.s32 s6;
	_ =	sdelay $0x1  }
0xa7: {  	s24 =	simm.s32 $0x1B8B  }
0xa8: {  	_ =	swait.ge [sflag:s24], $0x1  }
0xa9: {  	[sflag:s24] =	ssyncset.done $0x0  }
0xaa: {  	s25 =	simm.s32 $0x1B8E;
	[sflag:s24] =	ssyncadd.s32 $0xFFFFFFFF  }
0xab: {  	s26 =	simm.s32 $execute0_lowered;
	[smem:$0x3FD2] =	sst s25  }
0xac: {  	s6 =	sshll.u32 s26, $0x1;
	_ =	strace $0x80000046;
	[dreg:$0x1] =	wrdreg $0xFFFFFFFF  }
0xad: {  	s28 =	simm.s32 $_size_execute0_lowered;
	s5 =	sadd.s32 s5, s6;
	[dreg:$0x0] =	wrdreg $0x0  }
0xae: {  	s6 =	sshll.u32 s28, $0x1;
	[dreg:$0x2] =	wrdreg s5  }
0xaf: {  	[dreg:$0x3] =	wrdreg s6  }
0xb0: {  	[dreg:$0x4] =	wrdreg $0xC0  }
0xb1: {  	_ =	task [dreg:s9], $0x5FFFF  }
0xb2: {  	[dreg:$0x1] =	wrdreg $0xFFFFFFFF  }
0xb3: {  	[dreg:$0x0] =	wrdreg $0x60  }
0xb4: {  	[dreg:$0x2] =	wrdreg s19  }
0xb5: {  	[dreg:$0x3] =	wrdreg s17  }
0xb6: {  	[dreg:$0x4] =	wrdreg s18  }
0xb7: {  	[dreg:$0x5] =	wrdreg $0x9  }
0xb8: {  	_ =	task.clear_ibuf [dreg:s9], $0x6FFFF;
	_ =	strace $0x90000046  }
0xb9: {  	s29 =	simm.s32 $0x9;
	_ =	strace $0x80000048  }
0xba: {  	_ =	swait.ge [sflag:s29], $0x1  }
0xbb: {  	[sflag:s29] =	ssyncadd.s32 $0xFFFFFFFF  }
0xbc: {  	_ =	strace $0x90000048  }
0xbd: {  	_ =	sfence  }
0xbe: {  	s30 =	sld [smem:$0x0];
	_ =	sdelay $0x2  }
0xbf: {  	s31 =	sshll.u32 s1, $0xD;
	s1 =	sshrl.u32 s1, $0x2  }
0xc0: {  	s3 =	sand.u32 $0x4000, s31;
	s1 =	sadd.s32 s1, s30  }
0xc1: {  	s0 =	sor.u32 s3, s0;
	s1 =	sshll.u32 s1, $0x11  }
0xc2: {  	s0 =	sor.u32 s1, s0  }
0xc3: {  	s0 =	sadd.s32 $0x8F2B, s0  }
0xc4: {  	[sflag:s0] =	ssyncadd.remote.s32 $0x1  }
0xc5: {  	_ =	sfence.sel $0xFFFF  }
0xc6: {  	[dreg:$0x0] =	wrdreg $0xFFFFFFFF;
	(pc) =	sbr.abs _section_cstart, $3  }
0xc7: {  	[dreg:$0x1] =	wrdreg $0xFFFFFFFF  }
0xc8: {  	_ =	task.clear_ibuf [dreg:s9], $0x2FFFF;
	_ =	strace $0x9FFFFFFF  }
0xc9: {  	(tm) =	ssettm $0x7FFFFFFF  }
tec
execute0_lowered:
.L_overlay_start_1:
0x0: {  	(tag) =	ssettag $0x1  }
0x1: {  	s3 =	rddreg [dreg:$0x0]  }
0x2: {  	s4 =	rddreg [dreg:$0x1]  }
0x3: {  	s5 =	rddreg [dreg:$0x2];
	s2 =	srdreg.scid  }
0x4: {  	s0 =	rddreg [dreg:$0x3];
	s1 =	stileid.u32;
	s10 =	simm.s32 $0x0  }
0x5: {  	s6 =	sand.u32 $0x1, s2;
	s2 =	simm.s32 $0x0;
	s7 =	sshll.u32 s1, $0xB  }
0x6: {  	s8 =	sshll.u32 s6, $0xA;
	[smem:$0x7FF] =	sst s2;
	s6 =	ssub.s32 $0x2, s6  }
0x7: {  	s7 =	sor.u32 s8, s7;
	_ =	strace $0x80000047;
	s31 =	sshrl.u32 s6, $0x1  }
0x8: {  	s8 =	simm.s32 $0x2000;
	s9 =	sshrl.u32 s7, $0x2;
	s6 =	ssub.s32 s6, s31  }
0x9: {  	s3 =	sadd.s32 s3, s7;
	s7 =	simm.s32 $0x1;
	s4 =	sadd.s32 s4, s9  }
0xa: {  	v0 =	vimm.s32 $0x7;
	s5 =	sadd.s32 s5, s9;
	s6 =	smax.u32 s6, $0x1;
	s9 =	simm.s32 $0x2800  }
.LBB2_1:
0xb: {  	[tilespmem:s2], [sflag:$0x1] =	stream.linear.gather [hbm4b:s3+s2], $0x2000, $0x38;
	[tilespmem:$0x3000] =	vst v63  }
0xc: {  	s11 =	simm.s32 $0x0;
	_ =	swait.ge [sflag:s7], $0x2000  }
0xd: {  	s13 =	sand.u32 $0x40, s2;
	s12 =	sand.u32 $0x3FFFFC00, s11;
	[sflag:s7] =	ssyncset.done $0x0  }
0xe: {  	s11 =	sor.u32 s13, s12;
	[sflag:s7] =	ssyncadd.s32 $0xFFFFE000  }
0xf: {  	v1 =	vld [tilespmem:s11+$0x0]  }
0x10: {  	v2 =	vld [tilespmem:s11+$0x80]  }
0x11: {  	v3 =	vld [tilespmem:s11+$0x100]  }
0x12: {  	v4 =	vld [tilespmem:s11+$0x180]  }
0x13: {  	v5 =	vld [tilespmem:s11+$0x200]  }
0x14: {  	v6 =	vld [tilespmem:s11+$0x280]  }
0x15: {  	v7 =	vld [tilespmem:s11+$0x300];
	v8 =	vmax.f32 v1, v2  }
0x16: {  	v9 =	vld [tilespmem:s11+$0x380];
	v10 =	vmax.f32 v8, v3  }
0x17: {  	v10 =	vmax.f32 v10, v4  }
0x18: {  	v10 =	vmax.f32 v10, v5  }
0x19: {  	v10 =	vmax.f32 v10, v6  }
0x1a: {  	v10 =	vmax.f32 v10, v7  }
0x1b: {  	v10 =	vmax.f32 v10, v9  }
0x1c: {  	vm0 =	veq.f32 v7, v10  }
0x1d: {  	vm12 =	veq.f32 v6, v10;
	v11 =	vsel vm0, $0x6, v0  }
0x1e: {  	vm1 =	veq.f32 v5, v10;
	v11 =	vsel vm12, $0x5, v11  }
0x1f: {  	vm2 =	veq.f32 v4, v10;
	vm13 =	veq.f32 v2, v10;
	v11 =	vsel vm1, $0x4, v11  }
0x20: {  	vm3 =	veq.f32 v3, v10;
	vm0 =	vne.f32 v1, v10;
	v11 =	vsel vm2, $0x3, v11  }
0x21: {  	vm14 =	vmand vm0, vm13;
	v11 =	vsel vm3, $0x2, v11  }
0x22: {  	v8 =	vsel vm14, v1, v8;
	v11 =	vsel vm13, $0x1, v11  }
0x23: {  	v8 =	vsel vm0, v8, v2;
	v11 =	vnsel vm0, $0x0, v11  }
0x24: {  	v12 =	vmax.f32 v8, v3;
	vm15 =	veq.s32 v11, $0x2  }
0x25: {  	v8 =	vsel vm15, v8, v12  }
0x26: {  	vm4 =	veq.s32 v11, $0x3;
	v8 =	vmax.f32 v8, v4  }
0x27: {  	v12 =	vsel vm4, v12, v8  }
0x28: {  	vm5 =	veq.s32 v11, $0x4;
	v12 =	vmax.f32 v12, v5  }
0x29: {  	v8 =	vsel vm5, v8, v12  }
0x2a: {  	vm6 =	veq.s32 v11, $0x5;
	v8 =	vmax.f32 v8, v6  }
0x2b: {  	v12 =	vsel vm6, v12, v8  }
0x2c: {  	vm7 =	veq.s32 v11, $0x6;
	v12 =	vmax.f32 v12, v7  }
0x2d: {  	v8 =	vsel vm7, v8, v12  }
0x2e: {  	vm8 =	veq.s32 v11, $0x7;
	v8 =	vmax.f32 v8, v9  }
0x2f: {  	v8 =	vsel vm8, v12, v8  }
0x30: {  	v25 =	vsub.f32 v8, v10;
	_ =	sdelay $0x1  }
0x31: {  	v9 =	vmul.f32 $1.442695020e+00, v25;
	_ =	sdelay $0x1  }
0x32: {  	(erf) = vpow2.f32 v9;
	_ =	sdelay $0x8  }
0x33: {  	v9 =	vpop (erf)  }
0x34: {  	v26 =	vadd.f32 $1.000000000e+00, v9  }
0x35: {  	vm9 =	vne.s32 v11, $0x2;
	vm10 =	vne.s32 v11, $0x6;
	vm12 =	vne.s32 v11, $0x4  }
0x36: {  	vm13 =	vne.s32 v11, $0x3;
	vm5 =	veq.f32 v7, v8;
	(erf) = vrcp.f32 v26  }
0x37: {  	vm4 =	vne.s32 v11, $0x5;
	vm11 =	veq.f32 v6, v8;
	vm3 =	vmand vm10, vm5  }
0x38: {  	vm6 =	veq.f32 v5, v8;
	vm4 =	vmand vm4, vm11;
	v27 =	vsel vm3, $0x6, v0  }
0x39: {  	vm7 =	veq.f32 v4, v8;
	vm3 =	vmand vm12, vm6;
	v4 =	vsel vm4, $0x5, v27  }
0x3a: {  	vm15 =	veq.f32 v3, v8;
	vm14 =	vmand vm13, vm7;
	v4 =	vsel vm3, $0x4, v4  }
0x3b: {  	vm8 =	veq.f32 v2, v8;
	vm2 =	vmand vm9, vm15;
	v2 =	vsel vm14, $0x3, v4  }
0x3c: {  	s26 =	simm.s32 $0x0;
	v2 =	vsel vm2, $0x2, v2  }
0x3d: {  	s11 =	sand.u32 $0xFFFFFF00, s26;
	vm1 =	vne.s32 v11, $0x1  }
0x3e: {  	s15 =	sor.u32 s13, s11;
	vm1 =	vmand vm1, vm8;
	vm9 =	veq.f32 v1, v8  }
0x3f: {  	[tilespmem:s15+$0x2000] =	vst v11;
	vm0 =	vmand vm0, vm9;
	v1 =	vsel vm1, $0x1, v2;
	v2 =	vpop (erf)  }
0x40: {  	v1 =	vsel vm0, $0x0, v1;
	[tilespmem:s15+$0x2800] =	vst v2;
	v2 =	vmul.f32 v2, v9  }
0x41: {  	s14 =	sor.u32 $0x10, s13;
	[tilespmem:s15+$0x2080] =	vst v1  }
0x42: {  	s28 =	sor.u32 s14, s12;
	[tilespmem:s15+$0x2880] =	vst v2  }
0x43: {  	v1 =	vld [tilespmem:s28+$0x0]  }
0x44: {  	v2 =	vld [tilespmem:s28+$0x80]  }
0x45: {  	v3 =	vld [tilespmem:s28+$0x100]  }
0x46: {  	v28 =	vld [tilespmem:s28+$0x180]  }
0x47: {  	v29 =	vld [tilespmem:s28+$0x200]  }
0x48: {  	v30 =	vld [tilespmem:s28+$0x280]  }
0x49: {  	v31 =	vld [tilespmem:s28+$0x300];
	v32 =	vmax.f32 v1, v2  }
0x4a: {  	v33 =	vld [tilespmem:s28+$0x380];
	v34 =	vmax.f32 v32, v3  }
0x4b: {  	v10 =	vmax.f32 v34, v28  }
0x4c: {  	v10 =	vmax.f32 v10, v29  }
0x4d: {  	v10 =	vmax.f32 v10, v30  }
0x4e: {  	v10 =	vmax.f32 v10, v31  }
0x4f: {  	v10 =	vmax.f32 v10, v33  }
0x50: {  	vm10 =	veq.f32 v31, v10  }
0x51: {  	vm11 =	veq.f32 v30, v10;
	v35 =	vsel vm10, $0x6, v0  }
0x52: {  	vm12 =	veq.f32 v29, v10;
	v11 =	vsel vm11, $0x5, v35  }
0x53: {  	vm13 =	veq.f32 v28, v10;
	vm0 =	vne.f32 v1, v10;
	v11 =	vsel vm12, $0x4, v11  }
0x54: {  	vm14 =	veq.f32 v2, v10;
	vm15 =	veq.f32 v3, v10;
	v11 =	vsel vm13, $0x3, v11  }
0x55: {  	vm6 =	vmand vm0, vm14;
	v11 =	vsel vm15, $0x2, v11  }
0x56: {  	v8 =	vsel vm6, v1, v32;
	v11 =	vsel vm14, $0x1, v11  }
0x57: {  	v8 =	vsel vm0, v8, v2;
	v11 =	vnsel vm0, $0x0, v11  }
0x58: {  	v36 =	vmax.f32 v8, v3;
	vm7 =	veq.s32 v11, $0x2  }
0x59: {  	v8 =	vsel vm7, v8, v36  }
0x5a: {  	vm8 =	veq.s32 v11, $0x3;
	v8 =	vmax.f32 v8, v28  }
0x5b: {  	v12 =	vsel vm8, v36, v8  }
0x5c: {  	vm9 =	veq.s32 v11, $0x4;
	v12 =	vmax.f32 v12, v29  }
0x5d: {  	v8 =	vsel vm9, v8, v12  }
0x5e: {  	vm10 =	veq.s32 v11, $0x5;
	v8 =	vmax.f32 v8, v30  }
0x5f: {  	v12 =	vsel vm10, v12, v8  }
0x60: {  	vm11 =	veq.s32 v11, $0x6;
	v12 =	vmax.f32 v12, v31  }
0x61: {  	v8 =	vsel vm11, v8, v12  }
0x62: {  	vm12 =	veq.s32 v11, $0x7;
	v8 =	vmax.f32 v8, v33  }
0x63: {  	v8 =	vsel vm12, v12, v8  }
0x64: {  	v37 =	vsub.f32 v8, v10;
	_ =	sdelay $0x1  }
0x65: {  	v9 =	vmul.f32 $1.442695020e+00, v37;
	_ =	sdelay $0x1  }
0x66: {  	(erf) = vpow2.f32 v9;
	_ =	sdelay $0x8  }
0x67: {  	v9 =	vpop (erf)  }
0x68: {  	v38 =	vadd.f32 $1.000000000e+00, v9  }
0x69: {  	vm1 =	vne.s32 v11, $0x3;
	vm2 =	vne.s32 v11, $0x2;
	vm4 =	vne.s32 v11, $0x4  }
0x6a: {  	vm13 =	vne.s32 v11, $0x6;
	vm14 =	veq.f32 v31, v8;
	(erf) = vrcp.f32 v38  }
0x6b: {  	vm15 =	vne.s32 v11, $0x5;
	vm8 =	veq.f32 v30, v8;
	vm5 =	vmand vm13, vm14  }
0x6c: {  	vm12 =	veq.f32 v29, v8;
	vm13 =	vmand vm15, vm8;
	v39 =	vsel vm5, $0x6, v0  }
0x6d: {  	vm4 =	vmand vm4, vm12;
	vm14 =	veq.f32 v28, v8;
	v5 =	vsel vm13, $0x5, v39  }
0x6e: {  	vm15 =	veq.f32 v3, v8;
	vm1 =	vmand vm1, vm14;
	v3 =	vsel vm4, $0x4, v5  }
0x6f: {  	vm6 =	vmand vm2, vm15;
	v3 =	vsel vm1, $0x3, v3  }
0x70: {  	vm7 =	veq.f32 v2, v8;
	v2 =	vsel vm6, $0x2, v3  }
0x71: {  	vm3 =	vne.s32 v11, $0x1  }
0x72: {  	s29 =	sor.u32 s11, s14;
	vm9 =	veq.f32 v1, v8;
	vm8 =	vmand vm3, vm7  }
0x73: {  	[tilespmem:s29+$0x2000] =	vst v11;
	vm0 =	vmand vm0, vm9;
	v1 =	vsel vm8, $0x1, v2;
	v2 =	vpop (erf)  }
0x74: {  	v1 =	vsel vm0, $0x0, v1;
	[tilespmem:s29+$0x2800] =	vst v2;
	v2 =	vmul.f32 v2, v9  }
0x75: {  	s30 =	sor.u32 $0x20, s13;
	[tilespmem:s29+$0x2080] =	vst v1  }
0x76: {  	s31 =	sor.u32 s30, s12;
	[tilespmem:s29+$0x2880] =	vst v2  }
0x77: {  	v1 =	vld [tilespmem:s31+$0x0]  }
0x78: {  	v2 =	vld [tilespmem:s31+$0x80]  }
0x79: {  	v3 =	vld [tilespmem:s31+$0x100]  }
0x7a: {  	v40 =	vld [tilespmem:s31+$0x180]  }
0x7b: {  	v41 =	vld [tilespmem:s31+$0x200]  }
0x7c: {  	v42 =	vld [tilespmem:s31+$0x280]  }
0x7d: {  	v43 =	vld [tilespmem:s31+$0x300];
	v44 =	vmax.f32 v1, v2  }
0x7e: {  	v45 =	vld [tilespmem:s31+$0x380];
	v46 =	vmax.f32 v44, v3  }
0x7f: {  	v10 =	vmax.f32 v46, v40  }
0x80: {  	v10 =	vmax.f32 v10, v41  }
0x81: {  	v10 =	vmax.f32 v10, v42  }
0x82: {  	v10 =	vmax.f32 v10, v43  }
0x83: {  	v10 =	vmax.f32 v10, v45  }
0x84: {  	vm10 =	veq.f32 v43, v10  }
0x85: {  	vm11 =	veq.f32 v42, v10;
	v47 =	vsel vm10, $0x6, v0  }
0x86: {  	vm12 =	veq.f32 v41, v10;
	v11 =	vsel vm11, $0x5, v47  }
0x87: {  	vm13 =	veq.f32 v40, v10;
	vm14 =	veq.f32 v3, v10;
	v11 =	vsel vm12, $0x4, v11  }
0x88: {  	vm15 =	veq.f32 v2, v10;
	vm0 =	vne.f32 v1, v10;
	v11 =	vsel vm13, $0x3, v11  }
0x89: {  	vm5 =	vmand vm0, vm15;
	v11 =	vsel vm14, $0x2, v11  }
0x8a: {  	v8 =	vsel vm5, v1, v44;
	v11 =	vsel vm15, $0x1, v11  }
0x8b: {  	v8 =	vsel vm0, v8, v2;
	v11 =	vnsel vm0, $0x0, v11  }
0x8c: {  	v48 =	vmax.f32 v8, v3;
	vm6 =	veq.s32 v11, $0x2  }
0x8d: {  	v8 =	vsel vm6, v8, v48  }
0x8e: {  	vm7 =	veq.s32 v11, $0x3;
	v8 =	vmax.f32 v8, v40  }
0x8f: {  	v12 =	vsel vm7, v48, v8  }
0x90: {  	vm8 =	veq.s32 v11, $0x4;
	v12 =	vmax.f32 v12, v41  }
0x91: {  	v8 =	vsel vm8, v8, v12  }
0x92: {  	vm9 =	veq.s32 v11, $0x5;
	v8 =	vmax.f32 v8, v42  }
0x93: {  	v12 =	vsel vm9, v12, v8  }
0x94: {  	vm10 =	veq.s32 v11, $0x6;
	v12 =	vmax.f32 v12, v43  }
0x95: {  	v8 =	vsel vm10, v8, v12  }
0x96: {  	vm11 =	veq.s32 v11, $0x7;
	v8 =	vmax.f32 v8, v45  }
0x97: {  	v8 =	vsel vm11, v12, v8  }
0x98: {  	v49 =	vsub.f32 v8, v10;
	_ =	sdelay $0x1  }
0x99: {  	v9 =	vmul.f32 $1.442695020e+00, v49;
	_ =	sdelay $0x1  }
0x9a: {  	(erf) = vpow2.f32 v9;
	_ =	sdelay $0x8  }
0x9b: {  	v9 =	vpop (erf)  }
0x9c: {  	v50 =	vadd.f32 $1.000000000e+00, v9  }
0x9d: {  	vm2 =	vne.s32 v11, $0x5;
	vm3 =	vne.s32 v11, $0x2;
	vm4 =	vne.s32 v11, $0x3  }
0x9e: {  	vm12 =	vne.s32 v11, $0x6;
	vm13 =	veq.f32 v43, v8;
	(erf) = vrcp.f32 v50  }
0x9f: {  	vm14 =	vne.s32 v11, $0x4;
	vm15 =	veq.f32 v42, v8;
	vm5 =	vmand vm12, vm13  }
0xa0: {  	vm12 =	veq.f32 v41, v8;
	vm2 =	vmand vm2, vm15;
	v51 =	vsel vm5, $0x6, v0  }
0xa1: {  	vm13 =	vmand vm14, vm12;
	vm14 =	veq.f32 v40, v8;
	v5 =	vsel vm2, $0x5, v51  }
0xa2: {  	vm15 =	veq.f32 v3, v8;
	vm5 =	vmand vm4, vm14;
	v3 =	vsel vm13, $0x4, v5  }
0xa3: {  	vm6 =	vmand vm3, vm15;
	v3 =	vsel vm5, $0x3, v3  }
0xa4: {  	vm1 =	vne.s32 v11, $0x1;
	vm7 =	veq.f32 v2, v8;
	v2 =	vsel vm6, $0x2, v3  }
0xa5: {  	vm8 =	veq.f32 v1, v8;
	vm1 =	vmand vm1, vm7  }
0xa6: {  	s14 =	sor.u32 s11, s30;
	vm0 =	vmand vm0, vm8;
	v1 =	vsel vm1, $0x1, v2  }
0xa7: {  	[tilespmem:s14+$0x2000] =	vst v11;
	v1 =	vsel vm0, $0x0, v1;
	v2 =	vpop (erf)  }
0xa8: {  	[tilespmem:s14+$0x2080] =	vst v1;
	v1 =	vmul.f32 v2, v9  }
0xa9: {  	s13 =	sor.u32 $0x30, s13;
	[tilespmem:s14+$0x2800] =	vst v2  }
0xaa: {  	s12 =	sor.u32 s13, s12;
	[tilespmem:s14+$0x2880] =	vst v1  }
0xab: {  	v2 =	vld [tilespmem:s12+$0x0]  }
0xac: {  	v3 =	vld [tilespmem:s12+$0x80]  }
0xad: {  	v52 =	vld [tilespmem:s12+$0x100]  }
0xae: {  	v53 =	vld [tilespmem:s12+$0x180]  }
0xaf: {  	v54 =	vld [tilespmem:s12+$0x200]  }
0xb0: {  	v55 =	vld [tilespmem:s12+$0x280]  }
0xb1: {  	v56 =	vld [tilespmem:s12+$0x300];
	v1 =	vmax.f32 v2, v3  }
0xb2: {  	v57 =	vld [tilespmem:s12+$0x380];
	v58 =	vmax.f32 v1, v52  }
0xb3: {  	v10 =	vmax.f32 v58, v53  }
0xb4: {  	v10 =	vmax.f32 v10, v54  }
0xb5: {  	v10 =	vmax.f32 v10, v55  }
0xb6: {  	v10 =	vmax.f32 v10, v56  }
0xb7: {  	v10 =	vmax.f32 v10, v57  }
0xb8: {  	vm9 =	veq.f32 v56, v10  }
0xb9: {  	vm10 =	veq.f32 v55, v10;
	v59 =	vsel vm9, $0x6, v0  }
0xba: {  	vm11 =	veq.f32 v54, v10;
	v11 =	vsel vm10, $0x5, v59  }
0xbb: {  	vm12 =	veq.f32 v52, v10;
	vm13 =	veq.f32 v53, v10;
	v11 =	vsel vm11, $0x4, v11  }
0xbc: {  	vm14 =	veq.f32 v3, v10;
	vm0 =	vne.f32 v2, v10;
	v11 =	vsel vm13, $0x3, v11  }
0xbd: {  	vm15 =	vmand vm0, vm14;
	v11 =	vsel vm12, $0x2, v11  }
0xbe: {  	v1 =	vsel vm15, v2, v1;
	v11 =	vsel vm14, $0x1, v11  }
0xbf: {  	v1 =	vsel vm0, v1, v3;
	v11 =	vnsel vm0, $0x0, v11  }
0xc0: {  	v60 =	vmax.f32 v1, v52;
	vm4 =	veq.s32 v11, $0x2  }
0xc1: {  	v1 =	vsel vm4, v1, v60  }
0xc2: {  	vm5 =	veq.s32 v11, $0x3;
	v1 =	vmax.f32 v1, v53  }
0xc3: {  	v12 =	vsel vm5, v60, v1  }
0xc4: {  	vm6 =	veq.s32 v11, $0x4;
	v12 =	vmax.f32 v12, v54  }
0xc5: {  	v1 =	vsel vm6, v1, v12  }
0xc6: {  	vm7 =	veq.s32 v11, $0x5;
	v1 =	vmax.f32 v1, v55  }
0xc7: {  	v12 =	vsel vm7, v12, v1  }
0xc8: {  	vm8 =	veq.s32 v11, $0x6;
	v12 =	vmax.f32 v12, v56  }
0xc9: {  	v1 =	vsel vm8, v1, v12  }
0xca: {  	vm9 =	veq.s32 v11, $0x7;
	v1 =	vmax.f32 v1, v57  }
0xcb: {  	v9 =	vsel vm9, v12, v1  }
0xcc: {  	v1 =	vsub.f32 v9, v10;
	_ =	sdelay $0x1  }
0xcd: {  	v1 =	vmul.f32 $1.442695020e+00, v1;
	_ =	sdelay $0x1  }
0xce: {  	(erf) = vpow2.f32 v1;
	_ =	sdelay $0x7  }
0xcf: {  	vm1 =	vne.s32 v11, $0x4;
	vm2 =	vne.s32 v11, $0x2  }
0xd0: {  	vm3 =	vne.s32 v11, $0x1;
	vm10 =	vne.s32 v11, $0x6;
	vm12 =	vne.s32 v11, $0x5;
	v1 =	vpop (erf)  }
0xd1: {  	vm4 =	vne.s32 v11, $0x3;
	vm11 =	veq.f32 v56, v9;
	v61 =	vadd.f32 $1.000000000e+00, v1  }
0xd2: {  	vm13 =	veq.f32 v55, v9;
	vm14 =	veq.f32 v54, v9;
	vm5 =	vmand vm10, vm11  }
0xd3: {  	vm15 =	vmand vm12, vm13;
	v62 =	vsel vm5, $0x6, v0;
	(erf) = vrcp.f32 v61  }
0xd4: {  	vm9 =	veq.f32 v53, v9;
	vm1 =	vmand vm1, vm14;
	v6 =	vsel vm15, $0x5, v62  }
0xd5: {  	vm10 =	veq.f32 v52, v9;
	vm11 =	vmand vm4, vm9;
	v63 =	vsel vm1, $0x4, v6  }
0xd6: {  	vm13 =	veq.f32 v3, v9;
	vm12 =	vmand vm2, vm10;
	v4 =	vsel vm11, $0x3, v63  }
0xd7: {  	vm14 =	vmand vm3, vm13;
	vm15 =	veq.f32 v2, v9;
	v3 =	vsel vm12, $0x2, v4  }
0xd8: {  	vm0 =	vmand vm0, vm15;
	v2 =	vsel vm14, $0x1, v3  }
0xd9: {  	v2 =	vsel vm0, $0x0, v2  }
0xda: {  	s14 =	sor.u32 s11, s13  }
0xdb: {  	[tilespmem:s14+$0x2000] =	vst v11  }
0xdc: {  	s11 =	simm.s32 $0x0;
	s12 =	simm.s32 $0x0;
	[tilespmem:s14+$0x2080] =	vst v2;
	v2 =	vpop (erf)  }
.LBB2_2:
0xdd: {  	s11 =	sadd.s32 $0x4, s11;
	s12 =	sadd.s32 $0x40, s12  }
0xde: {  	v1 =	vmul.f32 v2, v1;
	s13 =	sshll.u32 s11, $0x7;
	s16 =	sshll.u32 s11, $0x5;
	p0 =	slt.u32 s11, $0x3C  }
0xdf: {  	s18 =	sand.u32 $0x40, s12;
	s15 =	sand.u32 $0x3FFFFC00, s13;
	s13 =	sand.u32 $0xFFFFFF00, s16;
	[tilespmem:s14+$0x2800] =	vst v2  }
0xe0: {  	s17 =	sor.u32 $0x10, s18;
	s16 =	sor.u32 $0x20, s18;
	s19 =	sor.u32 s18, s15;
	[tilespmem:s14+$0x2880] =	vst v1  }
0xe1: {  	s14 =	sor.u32 $0x30, s18;
	v1 =	vld [tilespmem:s19+$0x0]  }
0xe2: {  	v2 =	vld [tilespmem:s19+$0x80]  }
0xe3: {  	v3 =	vld [tilespmem:s19+$0x100]  }
0xe4: {  	v4 =	vld [tilespmem:s19+$0x180]  }
0xe5: {  	v5 =	vld [tilespmem:s19+$0x200]  }
0xe6: {  	v6 =	vld [tilespmem:s19+$0x280]  }
0xe7: {  	v7 =	vld [tilespmem:s19+$0x300];
	v8 =	vmax.f32 v1, v2  }
0xe8: {  	v9 =	vld [tilespmem:s19+$0x380];
	v10 =	vmax.f32 v8, v3  }
0xe9: {  	v10 =	vmax.f32 v10, v4  }
0xea: {  	v10 =	vmax.f32 v10, v5  }
0xeb: {  	v10 =	vmax.f32 v10, v6  }
0xec: {  	v10 =	vmax.f32 v10, v7  }
0xed: {  	v10 =	vmax.f32 v10, v9  }
0xee: {  	vm1 =	veq.f32 v7, v10;
	vm2 =	veq.f32 v4, v10;
	vm0 =	vne.f32 v1, v10  }
0xef: {  	vm3 =	veq.f32 v2, v10;
	v11 =	vsel vm1, $0x6, v0;
	vm1 =	veq.f32 v6, v10  }
0xf0: {  	vm4 =	vmand vm0, vm3;
	v11 =	vsel vm1, $0x5, v11;
	vm1 =	veq.f32 v5, v10  }
0xf1: {  	v8 =	vsel vm4, v1, v8;
	v11 =	vsel vm1, $0x4, v11;
	vm1 =	veq.f32 v3, v10  }
0xf2: {  	v8 =	vsel vm0, v8, v2;
	v11 =	vsel vm2, $0x3, v11  }
0xf3: {  	v11 =	vsel vm1, $0x2, v11  }
0xf4: {  	v11 =	vsel vm3, $0x1, v11  }
0xf5: {  	v11 =	vnsel vm0, $0x0, v11  }
0xf6: {  	v12 =	vmax.f32 v8, v3;
	vm2 =	veq.s32 v11, $0x2;
	vm1 =	vne.s32 v11, $0x1  }
0xf7: {  	v8 =	vsel vm2, v8, v12  }
0xf8: {  	vm2 =	veq.s32 v11, $0x3;
	v8 =	vmax.f32 v8, v4  }
0xf9: {  	v12 =	vsel vm2, v12, v8  }
0xfa: {  	vm2 =	veq.s32 v11, $0x4;
	v12 =	vmax.f32 v12, v5  }
0xfb: {  	v8 =	vsel vm2, v8, v12  }
0xfc: {  	vm2 =	veq.s32 v11, $0x5;
	v8 =	vmax.f32 v8, v6  }
0xfd: {  	v12 =	vsel vm2, v12, v8  }
0xfe: {  	vm2 =	veq.s32 v11, $0x6;
	v12 =	vmax.f32 v12, v7  }
0xff: {  	v8 =	vsel vm2, v8, v12  }
0x100: {  	vm3 =	vne.s32 v11, $0x2;
	vm2 =	veq.s32 v11, $0x7;
	v8 =	vmax.f32 v8, v9  }
0x101: {  	vm4 =	vne.s32 v11, $0x5;
	v8 =	vsel vm2, v12, v8;
	vm2 =	vne.s32 v11, $0x6  }
0x102: {  	vm5 =	veq.f32 v7, v8;
	vm6 =	veq.f32 v5, v8;
	v5 =	vsub.f32 v8, v10  }
0x103: {  	vm7 =	veq.f32 v4, v8;
	vm2 =	vmand vm2, vm5;
	vm5 =	veq.f32 v6, v8  }
0x104: {  	v4 =	vsel vm2, $0x6, v0;
	vm2 =	vne.s32 v11, $0x4;
	v5 =	vmul.f32 $1.442695020e+00, v5  }
0x105: {  	vm4 =	vmand vm4, vm5;
	vm5 =	vne.s32 v11, $0x3;
	vm2 =	vmand vm2, vm6  }
0x106: {  	v4 =	vsel vm4, $0x5, v4;
	vm4 =	vmand vm5, vm7;
	(erf) = vpow2.f32 v5  }
0x107: {  	vm5 =	veq.f32 v2, v8;
	v4 =	vsel vm2, $0x4, v4;
	vm2 =	veq.f32 v3, v8  }
0x108: {  	vm1 =	vmand vm1, vm5;
	v2 =	vsel vm4, $0x3, v4;
	vm2 =	vmand vm3, vm2  }
0x109: {  	v2 =	vsel vm2, $0x2, v2;
	vm2 =	veq.f32 v1, v8  }
0x10a: {  	v1 =	vsel vm1, $0x1, v2;
	vm0 =	vmand vm0, vm2  }
0x10b: {  	v1 =	vsel vm0, $0x0, v1;
	_ =	sdelay $0x3  }
0x10c: {  	v2 =	vpop (erf)  }
0x10d: {  	v3 =	vadd.f32 $1.000000000e+00, v2;
	_ =	sdelay $0x1  }
0x10e: {  	(erf) = vrcp.f32 v3;
	_ =	sdelay $0x7  }
0x10f: {  	s18 =	sor.u32 s18, s13  }
0x110: {  	[tilespmem:s18+$0x2000] =	vst v11;
	v3 =	vpop (erf)  }
0x111: {  	[tilespmem:s18+$0x2800] =	vst v3;
	v2 =	vmul.f32 v3, v2  }
0x112: {  	[tilespmem:s18+$0x2080] =	vst v1  }
0x113: {  	[tilespmem:s18+$0x2880] =	vst v2;
	s18 =	sor.u32 s17, s15  }
0x114: {  	v1 =	vld [tilespmem:s18+$0x0]  }
0x115: {  	v2 =	vld [tilespmem:s18+$0x80]  }
0x116: {  	v3 =	vld [tilespmem:s18+$0x100]  }
0x117: {  	v4 =	vld [tilespmem:s18+$0x180]  }
0x118: {  	v5 =	vld [tilespmem:s18+$0x200]  }
0x119: {  	v6 =	vld [tilespmem:s18+$0x280]  }
0x11a: {  	v7 =	vld [tilespmem:s18+$0x300];
	v8 =	vmax.f32 v1, v2  }
0x11b: {  	v9 =	vld [tilespmem:s18+$0x380];
	v10 =	vmax.f32 v8, v3  }
0x11c: {  	v10 =	vmax.f32 v10, v4  }
0x11d: {  	v10 =	vmax.f32 v10, v5  }
0x11e: {  	v10 =	vmax.f32 v10, v6  }
0x11f: {  	v10 =	vmax.f32 v10, v7  }
0x120: {  	v10 =	vmax.f32 v10, v9  }
0x121: {  	vm1 =	veq.f32 v7, v10;
	vm2 =	veq.f32 v4, v10;
	vm0 =	vne.f32 v1, v10  }
0x122: {  	vm3 =	veq.f32 v2, v10;
	v11 =	vsel vm1, $0x6, v0;
	vm1 =	veq.f32 v6, v10  }
0x123: {  	vm4 =	vmand vm0, vm3;
	v11 =	vsel vm1, $0x5, v11;
	vm1 =	veq.f32 v5, v10  }
0x124: {  	v8 =	vsel vm4, v1, v8;
	v11 =	vsel vm1, $0x4, v11;
	vm1 =	veq.f32 v3, v10  }
0x125: {  	v8 =	vsel vm0, v8, v2;
	v11 =	vsel vm2, $0x3, v11  }
0x126: {  	v11 =	vsel vm1, $0x2, v11  }
0x127: {  	v11 =	vsel vm3, $0x1, v11  }
0x128: {  	v11 =	vnsel vm0, $0x0, v11  }
0x129: {  	v12 =	vmax.f32 v8, v3;
	vm1 =	veq.s32 v11, $0x2;
	vm2 =	vne.s32 v11, $0x3  }
0x12a: {  	v8 =	vsel vm1, v8, v12;
	vm1 =	vne.s32 v11, $0x2  }
0x12b: {  	vm3 =	veq.s32 v11, $0x3;
	v8 =	vmax.f32 v8, v4  }
0x12c: {  	v12 =	vsel vm3, v12, v8  }
0x12d: {  	vm3 =	veq.s32 v11, $0x4;
	v12 =	vmax.f32 v12, v5  }
0x12e: {  	v8 =	vsel vm3, v8, v12  }
0x12f: {  	vm3 =	veq.s32 v11, $0x5;
	v8 =	vmax.f32 v8, v6  }
0x130: {  	v12 =	vsel vm3, v12, v8  }
0x131: {  	vm3 =	veq.s32 v11, $0x6;
	v12 =	vmax.f32 v12, v7  }
0x132: {  	v8 =	vsel vm3, v8, v12;
	vm3 =	vne.s32 v11, $0x1  }
0x133: {  	vm4 =	veq.s32 v11, $0x7;
	vm5 =	vne.s32 v11, $0x4;
	v8 =	vmax.f32 v8, v9  }
0x134: {  	vm6 =	vne.s32 v11, $0x5;
	v8 =	vsel vm4, v12, v8;
	vm4 =	vne.s32 v11, $0x6  }
0x135: {  	vm7 =	veq.f32 v7, v8;
	vm8 =	veq.f32 v6, v8;
	v6 =	vsub.f32 v8, v10  }
0x136: {  	vm9 =	veq.f32 v3, v8;
	vm4 =	vmand vm4, vm7;
	vm7 =	veq.f32 v5, v8  }
0x137: {  	v3 =	vsel vm4, $0x6, v0;
	vm4 =	vmand vm6, vm8;
	v5 =	vmul.f32 $1.442695020e+00, v6  }
0x138: {  	v3 =	vsel vm4, $0x5, v3;
	vm4 =	vmand vm5, vm7;
	vm5 =	veq.f32 v4, v8  }
0x139: {  	v3 =	vsel vm4, $0x4, v3;
	vm2 =	vmand vm2, vm5;
	(erf) = vpow2.f32 v5  }
0x13a: {  	vm1 =	vmand vm1, vm9;
	v3 =	vsel vm2, $0x3, v3;
	vm2 =	veq.f32 v2, v8  }
0x13b: {  	v2 =	vsel vm1, $0x2, v3;
	vm1 =	vmand vm3, vm2;
	vm2 =	veq.f32 v1, v8  }
0x13c: {  	v1 =	vsel vm1, $0x1, v2;
	vm0 =	vmand vm0, vm2  }
0x13d: {  	v1 =	vsel vm0, $0x0, v1;
	_ =	sdelay $0x4  }
0x13e: {  	v2 =	vpop (erf)  }
0x13f: {  	v3 =	vadd.f32 $1.000000000e+00, v2;
	_ =	sdelay $0x1  }
0x140: {  	(erf) = vrcp.f32 v3;
	_ =	sdelay $0x7  }
0x141: {  	s17 =	sor.u32 s13, s17  }
0x142: {  	[tilespmem:s17+$0x2000] =	vst v11;
	v3 =	vpop (erf)  }
0x143: {  	[tilespmem:s17+$0x2800] =	vst v3;
	v2 =	vmul.f32 v3, v2  }
0x144: {  	[tilespmem:s17+$0x2080] =	vst v1  }
0x145: {  	[tilespmem:s17+$0x2880] =	vst v2;
	s17 =	sor.u32 s16, s15  }
0x146: {  	v1 =	vld [tilespmem:s17+$0x0]  }
0x147: {  	v2 =	vld [tilespmem:s17+$0x80]  }
0x148: {  	v3 =	vld [tilespmem:s17+$0x100]  }
0x149: {  	v4 =	vld [tilespmem:s17+$0x180]  }
0x14a: {  	v5 =	vld [tilespmem:s17+$0x200]  }
0x14b: {  	v6 =	vld [tilespmem:s17+$0x280]  }
0x14c: {  	v7 =	vld [tilespmem:s17+$0x300];
	v8 =	vmax.f32 v1, v2  }
0x14d: {  	v9 =	vld [tilespmem:s17+$0x380];
	v10 =	vmax.f32 v8, v3  }
0x14e: {  	v10 =	vmax.f32 v10, v4  }
0x14f: {  	v10 =	vmax.f32 v10, v5  }
0x150: {  	v10 =	vmax.f32 v10, v6  }
0x151: {  	v10 =	vmax.f32 v10, v7  }
0x152: {  	v10 =	vmax.f32 v10, v9  }
0x153: {  	vm0 =	veq.f32 v7, v10;
	vm1 =	veq.f32 v4, v10;
	vm2 =	veq.f32 v3, v10  }
0x154: {  	vm3 =	veq.f32 v2, v10;
	v11 =	vsel vm0, $0x6, v0;
	vm0 =	veq.f32 v6, v10  }
0x155: {  	vm4 =	veq.f32 v5, v10;
	v11 =	vsel vm0, $0x5, v11;
	vm0 =	vne.f32 v1, v10  }
0x156: {  	v11 =	vsel vm4, $0x4, v11;
	vm4 =	vmand vm0, vm3  }
0x157: {  	v11 =	vsel vm1, $0x3, v11;
	v8 =	vsel vm4, v1, v8  }
0x158: {  	v11 =	vsel vm2, $0x2, v11;
	v8 =	vsel vm0, v8, v2  }
0x159: {  	v11 =	vsel vm3, $0x1, v11  }
0x15a: {  	s16 =	sor.u32 s13, s16;
	v11 =	vnsel vm0, $0x0, v11  }
0x15b: {  	v12 =	vmax.f32 v8, v3;
	vm1 =	veq.s32 v11, $0x2;
	[tilespmem:s16+$0x2000] =	vst v11  }
0x15c: {  	v8 =	vsel vm1, v8, v12  }
0x15d: {  	vm1 =	veq.s32 v11, $0x3;
	v8 =	vmax.f32 v8, v4  }
0x15e: {  	v12 =	vsel vm1, v12, v8  }
0x15f: {  	vm1 =	veq.s32 v11, $0x4;
	v12 =	vmax.f32 v12, v5  }
0x160: {  	v8 =	vsel vm1, v8, v12  }
0x161: {  	vm1 =	veq.s32 v11, $0x5;
	v8 =	vmax.f32 v8, v6  }
0x162: {  	v12 =	vsel vm1, v12, v8  }
0x163: {  	vm2 =	veq.s32 v11, $0x6;
	vm1 =	vne.s32 v11, $0x1;
	v12 =	vmax.f32 v12, v7  }
0x164: {  	vm3 =	vne.s32 v11, $0x2;
	v8 =	vsel vm2, v8, v12;
	vm2 =	vne.s32 v11, $0x5  }
0x165: {  	vm4 =	veq.s32 v11, $0x7;
	vm5 =	vne.s32 v11, $0x3;
	v8 =	vmax.f32 v8, v9  }
0x166: {  	vm6 =	vne.s32 v11, $0x4;
	v8 =	vsel vm4, v12, v8;
	vm4 =	vne.s32 v11, $0x6  }
0x167: {  	vm7 =	veq.f32 v7, v8;
	vm8 =	veq.f32 v6, v8;
	v6 =	vsub.f32 v8, v10  }
0x168: {  	vm9 =	veq.f32 v3, v8;
	vm4 =	vmand vm4, vm7;
	vm7 =	veq.f32 v5, v8  }
0x169: {  	vm2 =	vmand vm2, vm8;
	v3 =	vsel vm4, $0x6, v0;
	v5 =	vmul.f32 $1.442695020e+00, v6  }
0x16a: {  	vm4 =	veq.f32 v4, v8;
	v3 =	vsel vm2, $0x5, v3;
	vm2 =	vmand vm6, vm7  }
0x16b: {  	v3 =	vsel vm2, $0x4, v3;
	vm2 =	vmand vm5, vm4;
	(erf) = vpow2.f32 v5  }
0x16c: {  	v3 =	vsel vm2, $0x3, v3;
	vm2 =	vmand vm3, vm9;
	vm3 =	veq.f32 v2, v8  }
0x16d: {  	v2 =	vsel vm2, $0x2, v3;
	vm1 =	vmand vm1, vm3;
	vm2 =	veq.f32 v1, v8  }
0x16e: {  	v1 =	vsel vm1, $0x1, v2;
	vm0 =	vmand vm0, vm2  }
0x16f: {  	v1 =	vsel vm0, $0x0, v1  }
0x170: {  	[tilespmem:s16+$0x2080] =	vst v1;
	_ =	sdelay $0x3  }
0x171: {  	v1 =	vpop (erf)  }
0x172: {  	v2 =	vadd.f32 $1.000000000e+00, v1;
	_ =	sdelay $0x1  }
0x173: {  	(erf) = vrcp.f32 v2;
	_ =	sdelay $0x8  }
0x174: {  	v2 =	vpop (erf)  }
0x175: {  	[tilespmem:s16+$0x2800] =	vst v2;
	v1 =	vmul.f32 v2, v1;
	_ =	sdelay $0x1  }
0x176: {  	s15 =	sor.u32 s14, s15;
	[tilespmem:s16+$0x2880] =	vst v1  }
0x177: {  	v1 =	vld [tilespmem:s15+$0x0]  }
0x178: {  	v2 =	vld [tilespmem:s15+$0x80]  }
0x179: {  	v3 =	vld [tilespmem:s15+$0x100]  }
0x17a: {  	v4 =	vld [tilespmem:s15+$0x180]  }
0x17b: {  	v5 =	vld [tilespmem:s15+$0x200]  }
0x17c: {  	v6 =	vld [tilespmem:s15+$0x280]  }
0x17d: {  	v7 =	vld [tilespmem:s15+$0x300];
	v8 =	vmax.f32 v1, v2  }
0x17e: {  	v9 =	vld [tilespmem:s15+$0x380];
	v10 =	vmax.f32 v8, v3  }
0x17f: {  	v10 =	vmax.f32 v10, v4  }
0x180: {  	v10 =	vmax.f32 v10, v5  }
0x181: {  	v10 =	vmax.f32 v10, v6  }
0x182: {  	v10 =	vmax.f32 v10, v7  }
0x183: {  	v10 =	vmax.f32 v10, v9  }
0x184: {  	vm0 =	veq.f32 v7, v10;
	vm1 =	veq.f32 v3, v10;
	vm2 =	veq.f32 v2, v10  }
0x185: {  	vm3 =	veq.f32 v6, v10;
	v11 =	vsel vm0, $0x6, v0;
	vm0 =	vne.f32 v1, v10  }
0x186: {  	v11 =	vsel vm3, $0x5, v11;
	vm3 =	veq.f32 v5, v10;
	vm4 =	vmand vm0, vm2  }
0x187: {  	v11 =	vsel vm3, $0x4, v11;
	vm3 =	veq.f32 v4, v10;
	v8 =	vsel vm4, v1, v8  }
0x188: {  	v11 =	vsel vm3, $0x3, v11;
	v8 =	vsel vm0, v8, v2  }
0x189: {  	v11 =	vsel vm1, $0x2, v11  }
0x18a: {  	v11 =	vsel vm2, $0x1, v11  }
0x18b: {  	s14 =	sor.u32 s13, s14;
	v11 =	vnsel vm0, $0x0, v11  }
0x18c: {  	v12 =	vmax.f32 v8, v3;
	vm2 =	veq.s32 v11, $0x2;
	vm1 =	vne.s32 v11, $0x4;
	[tilespmem:s14+$0x2000] =	vst v11  }
0x18d: {  	v8 =	vsel vm2, v8, v12  }
0x18e: {  	vm2 =	veq.s32 v11, $0x3;
	v8 =	vmax.f32 v8, v4  }
0x18f: {  	v12 =	vsel vm2, v12, v8  }
0x190: {  	vm2 =	veq.s32 v11, $0x4;
	v12 =	vmax.f32 v12, v5  }
0x191: {  	v8 =	vsel vm2, v8, v12  }
0x192: {  	vm2 =	veq.s32 v11, $0x5;
	v8 =	vmax.f32 v8, v6  }
0x193: {  	v12 =	vsel vm2, v12, v8  }
0x194: {  	vm2 =	veq.s32 v11, $0x6;
	v12 =	vmax.f32 v12, v7  }
0x195: {  	vm3 =	vne.s32 v11, $0x2;
	v8 =	vsel vm2, v8, v12;
	vm2 =	vne.s32 v11, $0x1  }
0x196: {  	vm4 =	veq.s32 v11, $0x7;
	vm5 =	vne.s32 v11, $0x3;
	v8 =	vmax.f32 v8, v9  }
0x197: {  	vm6 =	vne.s32 v11, $0x5;
	v8 =	vsel vm4, v12, v8;
	vm4 =	vne.s32 v11, $0x6  }
0x198: {  	vm7 =	veq.f32 v7, v8;
	vm8 =	veq.f32 v5, v8;
	v5 =	vsub.f32 v8, v10  }
0x199: {  	vm9 =	veq.f32 v3, v8;
	vm4 =	vmand vm4, vm7;
	vm7 =	veq.f32 v6, v8  }
0x19a: {  	v3 =	vsel vm4, $0x6, v0;
	vm4 =	vmand vm6, vm7;
	v5 =	vmul.f32 $1.442695020e+00, v5  }
0x19b: {  	vm1 =	vmand vm1, vm8;
	v3 =	vsel vm4, $0x5, v3;
	vm4 =	veq.f32 v4, v8  }
0x19c: {  	v3 =	vsel vm1, $0x4, v3;
	vm1 =	vmand vm5, vm4;
	(erf) = vpow2.f32 v5  }
0x19d: {  	v3 =	vsel vm1, $0x3, v3;
	vm1 =	vmand vm3, vm9;
	vm3 =	veq.f32 v2, v8  }
0x19e: {  	v2 =	vsel vm1, $0x2, v3;
	vm1 =	vmand vm2, vm3;
	vm2 =	veq.f32 v1, v8  }
0x19f: {  	v1 =	vsel vm1, $0x1, v2;
	vm0 =	vmand vm0, vm2  }
0x1a0: {  	v1 =	vsel vm0, $0x0, v1  }
0x1a1: {  	[tilespmem:s14+$0x2080] =	vst v1;
	_ =	sdelay $0x3  }
0x1a2: {  	v1 =	vpop (erf)  }
0x1a3: {  	v2 =	vadd.f32 $1.000000000e+00, v1;
	_ =	sdelay $0x1  }
0x1a4: {  	(erf) = vrcp.f32 v2;
	_ =	sdelay $0x4  }
.Ltmp0:
0x1a5: {  	(pc) =	sbr.rel @p0 .LBB2_2-.Ltmp0, $2  }
0x1a6: {  	_ =	sdelay $0x2  }
0x1a7: {  	v2 =	vpop (erf)  }
0x1a8: {  	v1 =	vmul.f32 v2, v1  }
0x1a9: {  	[tilespmem:s14+$0x2800] =	vst v2  }
0x1aa: {  	[tilespmem:s14+$0x2880] =	vst v1  }
0x1ab: {  	[hbm4b:s4+s2] =	stream.linear.scatter [tilespmem:s8], [sflag:$0x1], $0x800, $0x38;
	[tilespmem:$0x3000] =	vst v63  }
0x1ac: {  	s10 =	sadd.s32 $0x1, s10;
	_ =	swait.ge [sflag:s7], $0x800  }
0x1ad: {  	p0 =	sne.s32 s10, s6;
	[sflag:s7] =	ssyncset.done $0x0  }
.Ltmp1:
0x1ae: {  	[sflag:s7] =	ssyncadd.s32 $0xFFFFF800;
	(pc) =	sbr.rel @p0 .LBB2_1-.Ltmp1, $4  }
0x1af: {  	[hbm4b:s5+s2] =	stream.linear.scatter [tilespmem:s9], [sflag:$0x1], $0x800, $0x38;
	[tilespmem:$0x3000] =	vst v63  }
0x1b0: {  	_ =	swait.ge [sflag:s7], $0x800  }
0x1b1: {  	[sflag:s7] =	ssyncset.done $0x0  }
0x1b2: {  	[sflag:s7] =	ssyncadd.s32 $0xFFFFF800  }
0x1b3: {  	_ =	sfence.sel $0x180000  }
0x1b4: {  	[bflag:$0x0] =	sbarrier.arrive $0xFFFF  }
0x1b5: {  	p0 =	sne.s32 s1, $0x0;
	_ =	strace $0x90000047  }
0x1b6: {  	s0 =	sadd.s32 @!p0 $0x100000, s0;
	[bflag:$0x2] =	sbarrier.arrive $0xFFFF  }
0x1b7: {  	[sflag:s0] =	ssyncadd.tile.s32 @!p0 $0x1;
	_ =	shalt  }
.Lfunc_end2:
_tile_overlayer_lowered:
.L_overlay_start_2:
0x1b8: {  	(tag) =	ssettag $0x2  }
0x1b9: {  	s0 =	rddreg [dreg:$0x0];
	s2 =	stileid.u32  }
0x1ba: {  	s1 =	rddreg [dreg:$0x1];
	p0 =	sne.s32 s2, $0x0  }
0x1bb: {  	s3 =	rddreg [dreg:$0x2];
	[bflag:$0x3] =	sbarrier.arrive $0xFFFF;
	s2 =	simm.s32 @!p0 $0x1C01  }
0x1bc: {  	[timem:s3], [sflag:s2] =	dma.local @!p0 [hbm:s0], s1  }
0x1bd: {  	s0 =	simm.s32 @!p0 $0x1  }
0x1be: {  	_ =	swait.ge @!p0 [sflag:s0], s1  }
0x1bf: {  	s1 =	ssub.s32 @!p0 $0x0, s1;
	[sflag:s0] =	ssyncset.done @!p0 $0x0  }
0x1c0: {  	[sflag:s0] =	ssyncadd.s32 @!p0 s1  }
0x1c1: {  	[bflag:$0x3] =	sbarrier.arrive $0xFFFF  }
0x1c2: {  	_ =	shalt  }

</sc_bundles>
